<compile_context>
chip_gen: v7x
topology: tpu7x:2x2x1
jax: 0.10.2.dev20260603
libtpu: 0.0.44.dev20260713+nightly
codegen_flags: <defaults>
</compile_context>

<pallas_src>
import functools
import itertools

import numpy as np
import jax
from jax import lax
import jax.numpy as jnp
from jax.experimental import pallas as pl
from jax.experimental.pallas import tpu as pltpu
from jax.experimental.pallas import tpu_sc as plsc

_DIM_X, _DIM_Y = 3, 3
_MAX_DIGIT = _DIM_X * _DIM_Y
_N = _MAX_DIGIT * _MAX_DIGIT
_NP = 96
_E = 16
_H = 96
_B = 64
_DEG = 20
_NE = _N * _DEG
_NEP = 1664
_ITERS = 2
_OUT = _MAX_DIGIT
_BBLK = 16
_NCHUNK = _B // _BBLK
_M = _BBLK * _NP


def _edge_table():
    rows = []
    for row in range(_MAX_DIGIT):
        for col in range(_MAX_DIGIT):
            s = {(row, i) for i in range(_MAX_DIGIT)}
            s |= {(i, col) for i in range(_MAX_DIGIT)}
            x_min = row // _DIM_X * _DIM_X
            y_min = col // _DIM_Y * _DIM_Y
            s |= set(itertools.product(range(x_min, x_min + _DIM_X),
                                       range(y_min, y_min + _DIM_Y)))
            s -= {(row, col)}
            rows.append(sorted(r * _MAX_DIGIT + c for r, c in s))
    return np.array(rows, dtype=np.int32)


def _gather_mats():
    edges = _edge_table()
    src = edges.reshape(-1)
    dst = np.repeat(np.arange(_N), _DEG)
    e = np.arange(_NE)
    g = np.zeros((_NEP, 2 * _NP + 8), np.float32)
    g[e, src] = 1.0
    g[e, _NP + dst] = 1.0
    g[e, 2 * _NP] = 1.0
    s = np.zeros((_NP, _NEP), np.float32)
    s[dst, e] = 1.0
    return g, s


_GCOMB, _SSUM = _gather_mats()


def _sc_embed_gather(table, idx, rows):
    info = plsc.get_sparse_core_info()
    nw = info.num_cores * info.num_subcores
    per = rows // nw
    mesh = plsc.VectorSubcoreMesh(core_axis_name="c", subcore_axis_name="s")

    @functools.partial(
        pl.kernel, mesh=mesh,
        out_type=jax.ShapeDtypeStruct((rows, 128), jnp.float32),
        scratch_types=[pltpu.VMEM((per,), jnp.int32),
                       pltpu.VMEM((per, 128), jnp.float32),
                       pltpu.SemaphoreType.DMA])
    def k(tab_hbm, idx_hbm, out_hbm, idx_v, rows_v, sem):
        wid = lax.axis_index("s") * info.num_cores + lax.axis_index("c")
        base = wid * per
        pltpu.sync_copy(idx_hbm.at[pl.ds(base, per)], idx_v)
        pltpu.async_copy(tab_hbm.at[idx_v], rows_v, sem).wait()
        pltpu.sync_copy(rows_v, out_hbm.at[pl.ds(base, per)])

    return k(table, idx)


def _body(emb_ref, c0_ref, w1e_ref, inb1_ref, inw2_ref, inb2_ref,
          inw3_ref, inb3_ref, gcomb_ref, ssum_ref, ws_ref, wd_ref,
          fb1_ref, fw2_ref, fb2_ref, fw3_ref, fb3_ref,
          ga_ref, gm_ref, gb1_ref, gw2_ref, gb2_ref, gw3_ref, gb3_ref,
          wih_ref, whh_ref, lb_ref,
          rw1_ref, rb1_ref, rw2_ref, rb2_ref, rw3_ref, rb3_ref,
          out_ref):
    relu = lambda v: jnp.maximum(v, 0.0)

    def mm(a, b):
        return jax.lax.dot_general(a, b, (((1,), (0,)), ((), ())),
                                   preferred_element_type=jnp.float32)

    x = relu(mm(emb_ref[0], w1e_ref[...]) + inb1_ref[...])
    x = relu(mm(x, inw2_ref[...]) + inb2_ref[...])
    x = mm(x, inw3_ref[...]) + inb3_ref[...]

    h = x
    c = c0_ref[0]
    bf = jnp.bfloat16
    for it in range(_ITERS):
        hws = mm(h, ws_ref[...]).astype(bf)
        hwd = mm(h, wd_ref[...]).astype(bf)
        parts = []
        for j in range(_BBLK):
            hcat = jnp.concatenate([hws[j * _NP:(j + 1) * _NP],
                                    hwd[j * _NP:(j + 1) * _NP],
                                    fb1_ref[...]], axis=0)
            parts.append(mm(gcomb_ref[...], hcat))
        a = relu(jnp.concatenate(parts, axis=0))
        a = relu(mm(a, fw2_ref[...]) + fb2_ref[...])
        sa = jnp.concatenate(
            [mm(ssum_ref[...], a[j * _NEP:(j + 1) * _NEP])
             for j in range(_BBLK)], axis=0)
        m = mm(sa, fw3_ref[...]) + fb3_ref[...]

        u = relu(mm(x, ga_ref[...]) + mm(m, gm_ref[...]) + gb1_ref[...])
        u = relu(mm(u, gw2_ref[...]) + gb2_ref[...])
        li = mm(u, gw3_ref[...]) + gb3_ref[...]

        gates = mm(li, wih_ref[...]) + mm(h, whh_ref[...]) + lb_ref[...]
        i_g = gates[:, 0 * _H:1 * _H]
        f_g = gates[:, 1 * _H:2 * _H]
        g_g = gates[:, 2 * _H:3 * _H]
        o_g = gates[:, 3 * _H:4 * _H]
        c = jax.nn.sigmoid(f_g) * c + jax.nn.sigmoid(i_g) * jnp.tanh(g_g)
        h = jax.nn.sigmoid(o_g) * jnp.tanh(c)

        r = relu(mm(h, rw1_ref[...]) + rb1_ref[...])
        r = relu(mm(r, rw2_ref[...]) + rb2_ref[...])
        r = mm(r, rw3_ref[...]) + rb3_ref[...]
        for j in range(_BBLK):
            out_ref[it, j] = r[j * _NP:j * _NP + _N]


def kernel(grids, iters, embed, in_W1, in_b1, in_W2, in_b2, in_W3, in_b3,
           f_W1, f_b1, f_W2, f_b2, f_W3, f_b3,
           g_W1, g_b1, g_W2, g_b2, g_W3, g_b3,
           lstm_Wih, lstm_Whh, lstm_bih, lstm_bhh,
           r_W1, r_b1, r_W2, r_b2, r_W3, r_b3, c0):
    del iters
    f32 = jnp.float32
    row = lambda v: v.reshape(1, -1).astype(f32)

    g4 = grids.astype(jnp.int32).reshape(_B // _BBLK, _BBLK, _N)
    gp = jnp.pad(g4, ((0, 0), (0, 0), (0, _NP - _N)))
    idx = gp.reshape(-1)
    emb = _sc_embed_gather(jnp.pad(embed, ((0, 0), (0, 128 - _E))),
                           idx, idx.shape[0])
    embr = emb.reshape(_B // _BBLK, _M, 128)
    c4 = jnp.pad(c0.reshape(_B, _N, _H), ((0, 0), (0, _NP - _N), (0, 0)))
    c0r = c4.reshape(_B // _BBLK, _M, _H)

    bf16 = jnp.bfloat16
    fb18 = jnp.zeros((8, _H), f32).at[0].set(f_b1).astype(bf16)

    lb = row(lstm_bih + lstm_bhh)
    wih = lstm_Wih.T
    whh = lstm_Whh.T

    args = [embr, c0r, jnp.pad(in_W1, ((0, 128 - _E), (0, 0))),
            row(in_b1), in_W2, row(in_b2), in_W3,
            row(in_b3), jnp.asarray(_GCOMB, bf16), jnp.asarray(_SSUM),
            f_W1[_H:], f_W1[:_H], fb18, f_W2, row(f_b2), f_W3,
            row(f_b3) * _DEG, g_W1[:_H], g_W1[_H:], row(g_b1), g_W2,
            row(g_b2), g_W3, row(g_b3), wih, whh, lb,
            r_W1, row(r_b1), r_W2, row(r_b2), r_W3, row(r_b3)]

    specs = [pl.BlockSpec((1, _M, 128), lambda b: (b, 0, 0)),
             pl.BlockSpec((1, _M, _H), lambda b: (b, 0, 0))]
    specs += [pl.BlockSpec(a.shape, lambda b, n=a.ndim: (0,) * n)
              for a in args[2:]]

    return pl.pallas_call(
        _body,
        grid=(_B // _BBLK,),
        in_specs=specs,
        out_specs=pl.BlockSpec((_ITERS, _BBLK, _N, _OUT),
                               lambda b: (0, b, 0, 0)),
        out_shape=jax.ShapeDtypeStruct((_ITERS, _B, _N, _OUT), f32),
    )(*args)

# --- scband reference (transcript-rebuilt; emitter-appended) ---
"""Pipeline reference for scband-rrn-72507637891256 (READ-ONLY COPY).

The authoritative reference and input builder live on the scoring server;
editing this copy changes nothing except your own understanding.
"""

import itertools
import jax, jax.numpy as jnp
import numpy as np

DIM_X, DIM_Y = 3, 3
MAX_DIGIT = DIM_X * DIM_Y
NUM_NODES = MAX_DIGIT ** 2
EMBED = 16
HID = 96
BATCH = 64
ITERS = 2

def determine_edges(dim_x, dim_y):
    max_digit = dim_x * dim_y
    rows = []
    for row in range(max_digit):
        for col in range(max_digit):
            s = {(row, i) for i in range(max_digit)}
            s |= {(i, col) for i in range(max_digit)}
            x_min = row // dim_x * dim_x
            y_min = col // dim_y * dim_y
            s |= set(itertools.product(range(x_min, x_min + dim_x), range(y_min, y_min + dim_y)))
            s -= {(row, col)}
            rows.append(sorted(r * max_digit + c for r, c in s))
    return np.array(rows, dtype=np.int32)

EDGES = determine_edges(DIM_X, DIM_Y)
DEG = EDGES.shape[1]

def _mlp(x, params):
    n = len(params)
    for i, (W, b) in enumerate(params):
        x = x @ W + b
        if i < n - 1:
            x = jax.nn.relu(x)
    return x

def setup_inputs(seed: int = 0):
    key = jax.random.key(seed)
    ks = jax.random.split(key, 40)
    def lin(i, fan_in, fan_out):
        s = 1.0 / np.sqrt(fan_in)
        W = jax.random.uniform(ks[2 * i], (fan_in, fan_out), minval=-s, maxval=s, dtype=jnp.float32)
        b = jax.random.uniform(ks[2 * i + 1], (fan_out,), minval=-s, maxval=s, dtype=jnp.float32)
        return W, b
    inp = {}
    inp["grids"] = jax.random.randint(ks[30], (BATCH, NUM_NODES), 0, MAX_DIGIT + 1)
    inp["iters"] = ITERS
    inp["embed"] = jax.random.normal(ks[31], (MAX_DIGIT + 1, EMBED), dtype=jnp.float32)
    inp["in_W1"], inp["in_b1"] = lin(0, EMBED, HID)
    inp["in_W2"], inp["in_b2"] = lin(1, HID, HID)
    inp["in_W3"], inp["in_b3"] = lin(2, HID, HID)
    inp["f_W1"], inp["f_b1"] = lin(3, 2 * HID, HID)
    inp["f_W2"], inp["f_b2"] = lin(4, HID, HID)
    inp["f_W3"], inp["f_b3"] = lin(5, HID, HID)
    inp["g_W1"], inp["g_b1"] = lin(6, 2 * HID, HID)
    inp["g_W2"], inp["g_b2"] = lin(7, HID, HID)
    inp["g_W3"], inp["g_b3"] = lin(8, HID, HID)
    s = 1.0 / np.sqrt(HID)
    inp["lstm_Wih"] = jax.random.uniform(ks[32], (4 * HID, HID), minval=-s, maxval=s, dtype=jnp.float32)
    inp["lstm_Whh"] = jax.random.uniform(ks[33], (4 * HID, HID), minval=-s, maxval=s, dtype=jnp.float32)
    inp["lstm_bih"] = jax.random.uniform(ks[34], (4 * HID,), minval=-s, maxval=s, dtype=jnp.float32)
    inp["lstm_bhh"] = jax.random.uniform(ks[35], (4 * HID,), minval=-s, maxval=s, dtype=jnp.float32)
    inp["r_W1"], inp["r_b1"] = lin(9, HID, HID)
    inp["r_W2"], inp["r_b2"] = lin(10, HID, HID)
    inp["r_W3"], inp["r_b3"] = lin(11, HID, MAX_DIGIT)
    inp["c0"] = jax.random.normal(ks[36], (BATCH * NUM_NODES, HID), dtype=jnp.float32)
    return inp

def _forward(grids, iters, fl):
    (embed, in_W1, in_b1, in_W2, in_b2, in_W3, in_b3,
     f_W1, f_b1, f_W2, f_b2, f_W3, f_b3,
     g_W1, g_b1, g_W2, g_b2, g_W3, g_b3,
     lstm_Wih, lstm_Whh, lstm_bih, lstm_bhh,
     r_W1, r_b1, r_W2, r_b2, r_W3, r_b3, c0) = fl
    B = grids.shape[0]
    edges = jnp.asarray(EDGES)
    dst = jnp.repeat(jnp.arange(NUM_NODES), DEG)
    src = edges.reshape(-1)
    emb = jnp.take(embed, grids, axis=0)
    X = _mlp(emb, [(in_W1, in_b1), (in_W2, in_b2), (in_W3, in_b3)])
    H = jax.lax.stop_gradient(X)
    h = H.reshape(B * NUM_NODES, HID)
    c = c0 + (jnp.asarray(iters) * 0).astype(c0.dtype)
    outs = []
    for _ in range(ITERS):
        pairs = jnp.concatenate([H[:, dst, :], H[:, src, :]], axis=-1)
        msgs = _mlp(pairs, [(f_W1, f_b1), (f_W2, f_b2), (f_W3, f_b3)])
        M = msgs.reshape(B, NUM_NODES, DEG, HID).sum(axis=2)
        lstm_in = _mlp(jnp.concatenate([X, M], axis=2), [(g_W1, g_b1), (g_W2, g_b2), (g_W3, g_b3)]).reshape(B * NUM_NODES, HID)
        gates = lstm_in @ lstm_Wih.T + lstm_bih + h @ lstm_Whh.T + lstm_bhh
        i_g, f_g, g_g, o_g = jnp.split(gates, 4, axis=-1)
        c = jax.nn.sigmoid(f_g) * c + jax.nn.sigmoid(i_g) * jnp.tanh(g_g)
        h = jax.nn.sigmoid(o_g) * jnp.tanh(c)
        H = h.reshape(B, NUM_NODES, HID)
        outs.append(_mlp(H, [(r_W1, r_b1), (r_W2, r_b2), (r_W3, r_b3)]))
    return jnp.stack(outs, axis=0)

def reference(grids, iters, embed, in_W1, in_b1, in_W2, in_b2, in_W3, in_b3, f_W1, f_b1, f_W2, f_b2, f_W3, f_b3, g_W1, g_b1, g_W2, g_b2, g_W3, g_b3, lstm_Wih, lstm_Whh, lstm_bih, lstm_bhh, r_W1, r_b1, r_W2, r_b2, r_W3, r_b3, c0):
    fl = (embed, in_W1, in_b1, in_W2, in_b2, in_W3, in_b3, f_W1, f_b1, f_W2, f_b2, f_W3, f_b3, g_W1, g_b1, g_W2, g_b2, g_W3, g_b3, lstm_Wih, lstm_Whh, lstm_bih, lstm_bhh, r_W1, r_b1, r_W2, r_b2, r_W3, r_b3, c0)
    return _forward(grids, iters, fl)

if __name__ == "__main__":
    import jax
    _d = setup_inputs()
    print(jax.jit(kernel)(*tuple(_d.values())))

</pallas_src>

<mosaic_0001>
#map = affine_map<(d0, d1) -> (0, 0)>
#map1 = affine_map<(d0, d1) -> (0)>
module attributes {stable_mosaic.version = 14 : i64} {
  func.func @k(%arg0: i32, %arg1: i32, %arg2: memref<10x128xf32, #tpu.memory_space<hbm>>, %arg3: memref<6144xi32, #tpu.memory_space<hbm>>, %arg4: memref<6144x128xf32, #tpu.memory_space<hbm>>, %arg5: memref<192xi32, #tpu.memory_space<vmem>>, %arg6: memref<192x128xf32, #tpu.memory_space<vmem>>, %arg7: memref<!tpu.dma_semaphore, #tpu.memory_space<semaphore_mem>>) attributes {dimension_semantics = [#tpu.dimension_semantics<core_parallel>, #tpu.dimension_semantics<subcore_parallel>], iteration_bounds = array<i64: 2, 16>, scalar_prefetch = 0 : i64, scratch_operands = 3 : i64, tpu.core_type = #tpu.core_type<sc_vector_subcore>, window_params = [{transform_indices = #map}, {transform_indices = #map1}, {transform_indices = #map}]} {
    %mul3A = arith.constant 2 : i32
    %mul3A_0 = arith.muli %arg1, %mul3A : i32
    %add3A = arith.addi %mul3A_0, %arg0 : i32
    %mul3A_1 = arith.constant 192 : i32
    %mul3A_2 = arith.muli %add3A, %mul3A_1 : i32
    "tpu.region"() ({
      %run_scoped3A = tpu.sem_alloc : memref<!tpu.dma_semaphore, #tpu.memory_space<semaphore_mem>>
      %dma_start3A_7 = tpu.memref_slice %arg3[%mul3A_2] : memref<6144xi32, #tpu.memory_space<hbm>> -> memref<192xi32, #tpu.memory_space<hbm>>
      %dma_start3A_8 = tpu.memref_slice %arg3[%mul3A_2] : memref<6144xi32, #tpu.memory_space<hbm>> -> memref<192xi32, #tpu.memory_space<hbm>>
      tpu.enqueue_dma source(%dma_start3A_8 : memref<192xi32, #tpu.memory_space<hbm>>) target(%arg5 : memref<192xi32, #tpu.memory_space<vmem>>) target_semaphore(%run_scoped3A : memref<!tpu.dma_semaphore, #tpu.memory_space<semaphore_mem>>)
      %dma_wait3A_9 = tpu.memref_slice %arg3[%mul3A_2] : memref<6144xi32, #tpu.memory_space<hbm>> -> memref<192xi32, #tpu.memory_space<hbm>>
      %dma_wait3A_10 = tpu.memref_slice %arg3[%mul3A_2] : memref<6144xi32, #tpu.memory_space<hbm>> -> memref<192xi32, #tpu.memory_space<hbm>>
      tpu.wait_dma2 semaphore(%run_scoped3A : memref<!tpu.dma_semaphore, #tpu.memory_space<semaphore_mem>>) src(%dma_wait3A_10 : memref<192xi32, #tpu.memory_space<hbm>>) dst(%arg5 : memref<192xi32, #tpu.memory_space<vmem>>)
      tpu.yield
    }) : () -> ()
    %dma_start3A = arith.constant 0 : i32
    %dma_start3A_3 = arith.constant 0 : i32
    %dma_start3A_4 = tpu.memref_slice %arg2[%dma_start3A, %dma_start3A_3] : memref<10x128xf32, #tpu.memory_space<hbm>> -> memref<10x128xf32, #tpu.memory_space<hbm>>
    tpu.enqueue_indirect_dma source(%dma_start3A_4 : memref<10x128xf32, #tpu.memory_space<hbm>>) target(%arg6 : memref<192x128xf32, #tpu.memory_space<vmem>>) offsets(%arg5 : memref<192xi32, #tpu.memory_space<vmem>>) semaphore(%arg7 : memref<!tpu.dma_semaphore, #tpu.memory_space<semaphore_mem>>)
    %dma_wait3A = arith.constant 0 : i32
    %dma_wait3A_5 = arith.constant 0 : i32
    %dma_wait3A_6 = tpu.memref_slice %arg2[%dma_wait3A, %dma_wait3A_5] : memref<10x128xf32, #tpu.memory_space<hbm>> -> memref<10x128xf32, #tpu.memory_space<hbm>>
    tpu.wait_indirect_dma semaphore(%arg7 : memref<!tpu.dma_semaphore, #tpu.memory_space<semaphore_mem>>) src(%dma_wait3A_6 : memref<10x128xf32, #tpu.memory_space<hbm>>) dst(%arg6 : memref<192x128xf32, #tpu.memory_space<vmem>>)
    "tpu.region"() ({
      %run_scoped3A = tpu.sem_alloc : memref<!tpu.dma_semaphore, #tpu.memory_space<semaphore_mem>>
      %dma_start3A_7 = arith.constant 0 : i32
      %dma_start3A_8 = tpu.memref_slice %arg4[%mul3A_2, %dma_start3A_7] : memref<6144x128xf32, #tpu.memory_space<hbm>> -> memref<192x128xf32, #tpu.memory_space<hbm>>
      %dma_start3A_9 = arith.constant 0 : i32
      %dma_start3A_10 = tpu.memref_slice %arg4[%mul3A_2, %dma_start3A_9] : memref<6144x128xf32, #tpu.memory_space<hbm>> -> memref<192x128xf32, #tpu.memory_space<hbm>>
      tpu.enqueue_dma source(%arg6 : memref<192x128xf32, #tpu.memory_space<vmem>>) target(%dma_start3A_10 : memref<192x128xf32, #tpu.memory_space<hbm>>) target_semaphore(%run_scoped3A : memref<!tpu.dma_semaphore, #tpu.memory_space<semaphore_mem>>)
      %dma_wait3A_11 = arith.constant 0 : i32
      %dma_wait3A_12 = tpu.memref_slice %arg4[%mul3A_2, %dma_wait3A_11] : memref<6144x128xf32, #tpu.memory_space<hbm>> -> memref<192x128xf32, #tpu.memory_space<hbm>>
      %dma_wait3A_13 = arith.constant 0 : i32
      %dma_wait3A_14 = tpu.memref_slice %arg4[%mul3A_2, %dma_wait3A_13] : memref<6144x128xf32, #tpu.memory_space<hbm>> -> memref<192x128xf32, #tpu.memory_space<hbm>>
      tpu.wait_dma2 semaphore(%run_scoped3A : memref<!tpu.dma_semaphore, #tpu.memory_space<semaphore_mem>>) src(%arg6 : memref<192x128xf32, #tpu.memory_space<vmem>>) dst(%dma_wait3A_14 : memref<192x128xf32, #tpu.memory_space<hbm>>)
      tpu.yield
    }) : () -> ()
    return
  }
}

module attributes {stable_mosaic.version = 14 : i64} {
  func.func @_body(%arg0: i32, %arg1: memref<1x1536x128xf32, #tpu.memory_space<vmem>>, %arg2: memref<1x1536x96xf32, #tpu.memory_space<vmem>>, %arg3: memref<128x96xf32, #tpu.memory_space<vmem>>, %arg4: memref<1x96xf32, #tpu.memory_space<vmem>>, %arg5: memref<96x96xf32, #tpu.memory_space<vmem>>, %arg6: memref<1x96xf32, #tpu.memory_space<vmem>>, %arg7: memref<96x96xf32, #tpu.memory_space<vmem>>, %arg8: memref<1x96xf32, #tpu.memory_space<vmem>>, %arg9: memref<1664x200xbf16, #tpu.memory_space<vmem>>, %arg10: memref<96x1664xf32, #tpu.memory_space<vmem>>, %arg11: memref<96x96xf32, #tpu.memory_space<vmem>>, %arg12: memref<96x96xf32, #tpu.memory_space<vmem>>, %arg13: memref<8x96xbf16, #tpu.memory_space<vmem>>, %arg14: memref<96x96xf32, #tpu.memory_space<vmem>>, %arg15: memref<1x96xf32, #tpu.memory_space<vmem>>, %arg16: memref<96x96xf32, #tpu.memory_space<vmem>>, %arg17: memref<1x96xf32, #tpu.memory_space<vmem>>, %arg18: memref<96x96xf32, #tpu.memory_space<vmem>>, %arg19: memref<96x96xf32, #tpu.memory_space<vmem>>, %arg20: memref<1x96xf32, #tpu.memory_space<vmem>>, %arg21: memref<96x96xf32, #tpu.memory_space<vmem>>, %arg22: memref<1x96xf32, #tpu.memory_space<vmem>>, %arg23: memref<96x96xf32, #tpu.memory_space<vmem>>, %arg24: memref<1x96xf32, #tpu.memory_space<vmem>>, %arg25: memref<96x384xf32, #tpu.memory_space<vmem>>, %arg26: memref<96x384xf32, #tpu.memory_space<vmem>>, %arg27: memref<1x384xf32, #tpu.memory_space<vmem>>, %arg28: memref<96x96xf32, #tpu.memory_space<vmem>>, %arg29: memref<1x96xf32, #tpu.memory_space<vmem>>, %arg30: memref<96x96xf32, #tpu.memory_space<vmem>>, %arg31: memref<1x96xf32, #tpu.memory_space<vmem>>, %arg32: memref<96x9xf32, #tpu.memory_space<vmem>>, %arg33: memref<1x9xf32, #tpu.memory_space<vmem>>, %arg34: memref<2x16x81x9xf32, #tpu.memory_space<vmem>>) attributes {dimension_semantics = [#tpu.dimension_semantics<arbitrary>], iteration_bounds = array<i64: 4>, scalar_prefetch = 0 : i64, scratch_operands = 0 : i64, tpu.core_type = #tpu.core_type<tc>, window_params = [{transform_indices = @transform_0, window_bounds = array<i64: 1, 1536, 128>}, {transform_indices = @transform_1, window_bounds = array<i64: 1, 1536, 96>}, {pipeline_mode = #tpu.pipeline_mode<synchronous>, transform_indices = @transform_2, window_bounds = array<i64: 128, 96>}, {pipeline_mode = #tpu.pipeline_mode<synchronous>, transform_indices = @transform_3, window_bounds = array<i64: 1, 96>}, {pipeline_mode = #tpu.pipeline_mode<synchronous>, transform_indices = @transform_4, window_bounds = array<i64: 96, 96>}, {pipeline_mode = #tpu.pipeline_mode<synchronous>, transform_indices = @transform_5, window_bounds = array<i64: 1, 96>}, {pipeline_mode = #tpu.pipeline_mode<synchronous>, transform_indices = @transform_6, window_bounds = array<i64: 96, 96>}, {pipeline_mode = #tpu.pipeline_mode<synchronous>, transform_indices = @transform_7, window_bounds = array<i64: 1, 96>}, {pipeline_mode = #tpu.pipeline_mode<synchronous>, transform_indices = @transform_8, window_bounds = array<i64: 1664, 200>}, {pipeline_mode = #tpu.pipeline_mode<synchronous>, transform_indices = @transform_9, window_bounds = array<i64: 96, 1664>}, {pipeline_mode = #tpu.pipeline_mode<synchronous>, transform_indices = @transform_10, window_bounds = array<i64: 96, 96>}, {pipeline_mode = #tpu.pipeline_mode<synchronous>, transform_indices = @transform_11, window_bounds = array<i64: 96, 96>}, {pipeline_mode = #tpu.pipeline_mode<synchronous>, transform_indices = @transform_12, window_bounds = array<i64: 8, 96>}, {pipeline_mode = #tpu.pipeline_mode<synchronous>, transform_indices = @transform_13, window_bounds = array<i64: 96, 96>}, {pipeline_mode = #tpu.pipeline_mode<synchronous>, transform_indices = @transform_14, window_bounds = array<i64: 1, 96>}, {pipeline_mode = #tpu.pipeline_mode<synchronous>, transform_indices = @transform_15, window_bounds = array<i64: 96, 96>}, {pipeline_mode = #tpu.pipeline_mode<synchronous>, transform_indices = @transform_16, window_bounds = array<i64: 1, 96>}, {pipeline_mode = #tpu.pipeline_mode<synchronous>, transform_indices = @transform_17, window_bounds = array<i64: 96, 96>}, {pipeline_mode = #tpu.pipeline_mode<synchronous>, transform_indices = @transform_18, window_bounds = array<i64: 96, 96>}, {pipeline_mode = #tpu.pipeline_mode<synchronous>, transform_indices = @transform_19, window_bounds = array<i64: 1, 96>}, {pipeline_mode = #tpu.pipeline_mode<synchronous>, transform_indices = @transform_20, window_bounds = array<i64: 96, 96>}, {pipeline_mode = #tpu.pipeline_mode<synchronous>, transform_indices = @transform_21, window_bounds = array<i64: 1, 96>}, {pipeline_mode = #tpu.pipeline_mode<synchronous>, transform_indices = @transform_22, window_bounds = array<i64: 96, 96>}, {pipeline_mode = #tpu.pipeline_mode<synchronous>, transform_indices = @transform_23, window_bounds = array<i64: 1, 96>}, {pipeline_mode = #tpu.pipeline_mode<synchronous>, transform_indices = @transform_24, window_bounds = array<i64: 96, 384>}, {pipeline_mode = #tpu.pipeline_mode<synchronous>, transform_indices = @transform_25, window_bounds = array<i64: 96, 384>}, {pipeline_mode = #tpu.pipeline_mode<synchronous>, transform_indices = @transform_26, window_bounds = array<i64: 1, 384>}, {pipeline_mode = #tpu.pipeline_mode<synchronous>, transform_indices = @transform_27, window_bounds = array<i64: 96, 96>}, {pipeline_mode = #tpu.pipeline_mode<synchronous>, transform_indices = @transform_28, window_bounds = array<i64: 1, 96>}, {pipeline_mode = #tpu.pipeline_mode<synchronous>, transform_indices = @transform_29, window_bounds = array<i64: 96, 96>}, {pipeline_mode = #tpu.pipeline_mode<synchronous>, transform_indices = @transform_30, window_bounds = array<i64: 1, 96>}, {pipeline_mode = #tpu.pipeline_mode<synchronous>, transform_indices = @transform_31, window_bounds = array<i64: 96, 9>}, {pipeline_mode = #tpu.pipeline_mode<synchronous>, transform_indices = @transform_32, window_bounds = array<i64: 1, 9>}, {transform_indices = @transform_33, window_bounds = array<i64: 2, 16, 81, 9>}]} {
    %get3A = arith.constant 0 : index
    %get3A_0 = arith.constant 0 : index
    %get3A_1 = arith.constant 0 : index
    %get3A_2 = vector.load %arg1[%get3A, %get3A_0, %get3A_1] : memref<1x1536x128xf32, #tpu.memory_space<vmem>>, vector<1x1536x128xf32>
    %get3A_3 = vector.shape_cast %get3A_2 : vector<1x1536x128xf32> to vector<1536x128xf32>
    %get3A_4 = arith.constant 0 : index
    %get3A_5 = arith.constant 0 : index
    %get3A_6 = vector.load %arg3[%get3A_4, %get3A_5] : memref<128x96xf32, #tpu.memory_space<vmem>>, vector<128x96xf32>
    %dot_general3A = arith.constant dense<0.000000e+00> : vector<1536x96xf32>
    %dot_general3A_7 = tpu.matmul %get3A_3, %get3A_6, %dot_general3A {dimension_numbers = #tpu.dot_dimension_numbers<[1], [0], [0], [1], [0, 0, 1, 1], [], []>, transpose_lhs_hint = false} : vector<1536x128xf32>, vector<128x96xf32>, vector<1536x96xf32> -> vector<1536x96xf32>
    %get3A_8 = arith.constant 0 : index
    %get3A_9 = arith.constant 0 : index
    %get3A_10 = vector.load %arg4[%get3A_8, %get3A_9] : memref<1x96xf32, #tpu.memory_space<vmem>>, vector<1x96xf32>
    %add3A = vector.broadcast %get3A_10 : vector<1x96xf32> to vector<1536x96xf32>
    %add3A_11 = arith.addf %dot_general3A_7, %add3A : vector<1536x96xf32>
    %max3A = arith.constant 0.000000e+00 : f32
    %max3A_12 = vector.broadcast %max3A : f32 to vector<1536x96xf32>
    %max3A_13 = arith.maximumf %add3A_11, %max3A_12 : vector<1536x96xf32>
    %get3A_14 = arith.constant 0 : index
    %get3A_15 = arith.constant 0 : index
    %get3A_16 = vector.load %arg5[%get3A_14, %get3A_15] : memref<96x96xf32, #tpu.memory_space<vmem>>, vector<96x96xf32>
    %dot_general3A_17 = arith.constant dense<0.000000e+00> : vector<1536x96xf32>
    %dot_general3A_18 = tpu.matmul %max3A_13, %get3A_16, %dot_general3A_17 {dimension_numbers = #tpu.dot_dimension_numbers<[1], [0], [0], [1], [0, 0, 1, 1], [], []>, transpose_lhs_hint = false} : vector<1536x96xf32>, vector<96x96xf32>, vector<1536x96xf32> -> vector<1536x96xf32>
    %get3A_19 = arith.constant 0 : index
    %get3A_20 = arith.constant 0 : index
    %get3A_21 = vector.load %arg6[%get3A_19, %get3A_20] : memref<1x96xf32, #tpu.memory_space<vmem>>, vector<1x96xf32>
    %add3A_22 = vector.broadcast %get3A_21 : vector<1x96xf32> to vector<1536x96xf32>
    %add3A_23 = arith.addf %dot_general3A_18, %add3A_22 : vector<1536x96xf32>
    %max3A_24 = arith.constant 0.000000e+00 : f32
    %max3A_25 = vector.broadcast %max3A_24 : f32 to vector<1536x96xf32>
    %max3A_26 = arith.maximumf %add3A_23, %max3A_25 : vector<1536x96xf32>
    %get3A_27 = arith.constant 0 : index
    %get3A_28 = arith.constant 0 : index
    %get3A_29 = vector.load %arg7[%get3A_27, %get3A_28] : memref<96x96xf32, #tpu.memory_space<vmem>>, vector<96x96xf32>
    %dot_general3A_30 = arith.constant dense<0.000000e+00> : vector<1536x96xf32>
    %dot_general3A_31 = tpu.matmul %max3A_26, %get3A_29, %dot_general3A_30 {dimension_numbers = #tpu.dot_dimension_numbers<[1], [0], [0], [1], [0, 0, 1, 1], [], []>, transpose_lhs_hint = false} : vector<1536x96xf32>, vector<96x96xf32>, vector<1536x96xf32> -> vector<1536x96xf32>
    %get3A_32 = arith.constant 0 : index
    %get3A_33 = arith.constant 0 : index
    %get3A_34 = vector.load %arg8[%get3A_32, %get3A_33] : memref<1x96xf32, #tpu.memory_space<vmem>>, vector<1x96xf32>
    %add3A_35 = vector.broadcast %get3A_34 : vector<1x96xf32> to vector<1536x96xf32>
    %add3A_36 = arith.addf %dot_general3A_31, %add3A_35 : vector<1536x96xf32>
    %get3A_37 = arith.constant 0 : index
    %get3A_38 = arith.constant 0 : index
    %get3A_39 = arith.constant 0 : index
    %get3A_40 = vector.load %arg2[%get3A_37, %get3A_38, %get3A_39] : memref<1x1536x96xf32, #tpu.memory_space<vmem>>, vector<1x1536x96xf32>
    %get3A_41 = vector.shape_cast %get3A_40 : vector<1x1536x96xf32> to vector<1536x96xf32>
    %get3A_42 = arith.constant 0 : index
    %get3A_43 = arith.constant 0 : index
    %get3A_44 = vector.load %arg11[%get3A_42, %get3A_43] : memref<96x96xf32, #tpu.memory_space<vmem>>, vector<96x96xf32>
    %dot_general3A_45 = arith.constant dense<0.000000e+00> : vector<1536x96xf32>
    %dot_general3A_46 = tpu.matmul %add3A_36, %get3A_44, %dot_general3A_45 {dimension_numbers = #tpu.dot_dimension_numbers<[1], [0], [0], [1], [0, 0, 1, 1], [], []>, transpose_lhs_hint = false} : vector<1536x96xf32>, vector<96x96xf32>, vector<1536x96xf32> -> vector<1536x96xf32>
    %convert_element_type3A = arith.truncf %dot_general3A_46 : vector<1536x96xf32> to vector<1536x96xbf16>
    %get3A_47 = arith.constant 0 : index
    %get3A_48 = arith.constant 0 : index
    %get3A_49 = vector.load %arg12[%get3A_47, %get3A_48] : memref<96x96xf32, #tpu.memory_space<vmem>>, vector<96x96xf32>
    %dot_general3A_50 = arith.constant dense<0.000000e+00> : vector<1536x96xf32>
    %dot_general3A_51 = tpu.matmul %add3A_36, %get3A_49, %dot_general3A_50 {dimension_numbers = #tpu.dot_dimension_numbers<[1], [0], [0], [1], [0, 0, 1, 1], [], []>, transpose_lhs_hint = false} : vector<1536x96xf32>, vector<96x96xf32>, vector<1536x96xf32> -> vector<1536x96xf32>
    %convert_element_type3A_52 = arith.truncf %dot_general3A_51 : vector<1536x96xf32> to vector<1536x96xbf16>
    %slice3A = vector.extract_strided_slice %convert_element_type3A {offsets = [0, 0], sizes = [96, 96], strides = [1, 1]} : vector<1536x96xbf16> to vector<96x96xbf16>
    %slice3A_53 = vector.extract_strided_slice %convert_element_type3A_52 {offsets = [0, 0], sizes = [96, 96], strides = [1, 1]} : vector<1536x96xbf16> to vector<96x96xbf16>
    %get3A_54 = arith.constant 0 : index
    %get3A_55 = arith.constant 0 : index
    %get3A_56 = vector.load %arg13[%get3A_54, %get3A_55] : memref<8x96xbf16, #tpu.memory_space<vmem>>, vector<8x96xbf16>
    %concatenate3A = tpu.concatenate %slice3A, %slice3A_53, %get3A_56 in 0 : vector<96x96xbf16>, vector<96x96xbf16>, vector<8x96xbf16> -> vector<200x96xbf16>
    %get3A_57 = arith.constant 0 : index
    %get3A_58 = arith.constant 0 : index
    %get3A_59 = vector.load %arg9[%get3A_57, %get3A_58] : memref<1664x200xbf16, #tpu.memory_space<vmem>>, vector<1664x200xbf16>
    %dot_general3A_60 = arith.constant dense<0.000000e+00> : vector<1664x96xf32>
    %dot_general3A_61 = tpu.matmul %get3A_59, %concatenate3A, %dot_general3A_60 {dimension_numbers = #tpu.dot_dimension_numbers<[1], [0], [0], [1], [0, 0, 1, 1], [], []>, transpose_lhs_hint = false} : vector<1664x200xbf16>, vector<200x96xbf16>, vector<1664x96xf32> -> vector<1664x96xf32>
    %slice3A_62 = vector.extract_strided_slice %convert_element_type3A {offsets = [96, 0], sizes = [96, 96], strides = [1, 1]} : vector<1536x96xbf16> to vector<96x96xbf16>
    %slice3A_63 = vector.extract_strided_slice %convert_element_type3A_52 {offsets = [96, 0], sizes = [96, 96], strides = [1, 1]} : vector<1536x96xbf16> to vector<96x96xbf16>
    %get3A_64 = arith.constant 0 : index
    %get3A_65 = arith.constant 0 : index
    %get3A_66 = vector.load %arg13[%get3A_64, %get3A_65] : memref<8x96xbf16, #tpu.memory_space<vmem>>, vector<8x96xbf16>
    %concatenate3A_67 = tpu.concatenate %slice3A_62, %slice3A_63, %get3A_66 in 0 : vector<96x96xbf16>, vector<96x96xbf16>, vector<8x96xbf16> -> vector<200x96xbf16>
    %get3A_68 = arith.constant 0 : index
    %get3A_69 = arith.constant 0 : index
    %get3A_70 = vector.load %arg9[%get3A_68, %get3A_69] : memref<1664x200xbf16, #tpu.memory_space<vmem>>, vector<1664x200xbf16>
    %dot_general3A_71 = arith.constant dense<0.000000e+00> : vector<1664x96xf32>
    %dot_general3A_72 = tpu.matmul %get3A_70, %concatenate3A_67, %dot_general3A_71 {dimension_numbers = #tpu.dot_dimension_numbers<[1], [0], [0], [1], [0, 0, 1, 1], [], []>, transpose_lhs_hint = false} : vector<1664x200xbf16>, vector<200x96xbf16>, vector<1664x96xf32> -> vector<1664x96xf32>
    %slice3A_73 = vector.extract_strided_slice %convert_element_type3A {offsets = [192, 0], sizes = [96, 96], strides = [1, 1]} : vector<1536x96xbf16> to vector<96x96xbf16>
    %slice3A_74 = vector.extract_strided_slice %convert_element_type3A_52 {offsets = [192, 0], sizes = [96, 96], strides = [1, 1]} : vector<1536x96xbf16> to vector<96x96xbf16>
    %get3A_75 = arith.constant 0 : index
    %get3A_76 = arith.constant 0 : index
    %get3A_77 = vector.load %arg13[%get3A_75, %get3A_76] : memref<8x96xbf16, #tpu.memory_space<vmem>>, vector<8x96xbf16>
    %concatenate3A_78 = tpu.concatenate %slice3A_73, %slice3A_74, %get3A_77 in 0 : vector<96x96xbf16>, vector<96x96xbf16>, vector<8x96xbf16> -> vector<200x96xbf16>
    %get3A_79 = arith.constant 0 : index
    %get3A_80 = arith.constant 0 : index
    %get3A_81 = vector.load %arg9[%get3A_79, %get3A_80] : memref<1664x200xbf16, #tpu.memory_space<vmem>>, vector<1664x200xbf16>
    %dot_general3A_82 = arith.constant dense<0.000000e+00> : vector<1664x96xf32>
    %dot_general3A_83 = tpu.matmul %get3A_81, %concatenate3A_78, %dot_general3A_82 {dimension_numbers = #tpu.dot_dimension_numbers<[1], [0], [0], [1], [0, 0, 1, 1], [], []>, transpose_lhs_hint = false} : vector<1664x200xbf16>, vector<200x96xbf16>, vector<1664x96xf32> -> vector<1664x96xf32>
    %slice3A_84 = vector.extract_strided_slice %convert_element_type3A {offsets = [288, 0], sizes = [96, 96], strides = [1, 1]} : vector<1536x96xbf16> to vector<96x96xbf16>
    %slice3A_85 = vector.extract_strided_slice %convert_element_type3A_52 {offsets = [288, 0], sizes = [96, 96], strides = [1, 1]} : vector<1536x96xbf16> to vector<96x96xbf16>
    %get3A_86 = arith.constant 0 : index
    %get3A_87 = arith.constant 0 : index
    %get3A_88 = vector.load %arg13[%get3A_86, %get3A_87] : memref<8x96xbf16, #tpu.memory_space<vmem>>, vector<8x96xbf16>
    %concatenate3A_89 = tpu.concatenate %slice3A_84, %slice3A_85, %get3A_88 in 0 : vector<96x96xbf16>, vector<96x96xbf16>, vector<8x96xbf16> -> vector<200x96xbf16>
    %get3A_90 = arith.constant 0 : index
    %get3A_91 = arith.constant 0 : index
    %get3A_92 = vector.load %arg9[%get3A_90, %get3A_91] : memref<1664x200xbf16, #tpu.memory_space<vmem>>, vector<1664x200xbf16>
    %dot_general3A_93 = arith.constant dense<0.000000e+00> : vector<1664x96xf32>
    %dot_general3A_94 = tpu.matmul %get3A_92, %concatenate3A_89, %dot_general3A_93 {dimension_numbers = #tpu.dot_dimension_numbers<[1], [0], [0], [1], [0, 0, 1, 1], [], []>, transpose_lhs_hint = false} : vector<1664x200xbf16>, vector<200x96xbf16>, vector<1664x96xf32> -> vector<1664x96xf32>
    %slice3A_95 = vector.extract_strided_slice %convert_element_type3A {offsets = [384, 0], sizes = [96, 96], strides = [1, 1]} : vector<1536x96xbf16> to vector<96x96xbf16>
    %slice3A_96 = vector.extract_strided_slice %convert_element_type3A_52 {offsets = [384, 0], sizes = [96, 96], strides = [1, 1]} : vector<1536x96xbf16> to vector<96x96xbf16>
    %get3A_97 = arith.constant 0 : index
    %get3A_98 = arith.constant 0 : index
    %get3A_99 = vector.load %arg13[%get3A_97, %get3A_98] : memref<8x96xbf16, #tpu.memory_space<vmem>>, vector<8x96xbf16>
    %concatenate3A_100 = tpu.concatenate %slice3A_95, %slice3A_96, %get3A_99 in 0 : vector<96x96xbf16>, vector<96x96xbf16>, vector<8x96xbf16> -> vector<200x96xbf16>
    %get3A_101 = arith.constant 0 : index
    %get3A_102 = arith.constant 0 : index
    %get3A_103 = vector.load %arg9[%get3A_101, %get3A_102] : memref<1664x200xbf16, #tpu.memory_space<vmem>>, vector<1664x200xbf16>
    %dot_general3A_104 = arith.constant dense<0.000000e+00> : vector<1664x96xf32>
    %dot_general3A_105 = tpu.matmul %get3A_103, %concatenate3A_100, %dot_general3A_104 {dimension_numbers = #tpu.dot_dimension_numbers<[1], [0], [0], [1], [0, 0, 1, 1], [], []>, transpose_lhs_hint = false} : vector<1664x200xbf16>, vector<200x96xbf16>, vector<1664x96xf32> -> vector<1664x96xf32>
    %slice3A_106 = vector.extract_strided_slice %convert_element_type3A {offsets = [480, 0], sizes = [96, 96], strides = [1, 1]} : vector<1536x96xbf16> to vector<96x96xbf16>
    %slice3A_107 = vector.extract_strided_slice %convert_element_type3A_52 {offsets = [480, 0], sizes = [96, 96], strides = [1, 1]} : vector<1536x96xbf16> to vector<96x96xbf16>
    %get3A_108 = arith.constant 0 : index
    %get3A_109 = arith.constant 0 : index
    %get3A_110 = vector.load %arg13[%get3A_108, %get3A_109] : memref<8x96xbf16, #tpu.memory_space<vmem>>, vector<8x96xbf16>
    %concatenate3A_111 = tpu.concatenate %slice3A_106, %slice3A_107, %get3A_110 in 0 : vector<96x96xbf16>, vector<96x96xbf16>, vector<8x96xbf16> -> vector<200x96xbf16>
    %get3A_112 = arith.constant 0 : index
    %get3A_113 = arith.constant 0 : index
    %get3A_114 = vector.load %arg9[%get3A_112, %get3A_113] : memref<1664x200xbf16, #tpu.memory_space<vmem>>, vector<1664x200xbf16>
    %dot_general3A_115 = arith.constant dense<0.000000e+00> : vector<1664x96xf32>
    %dot_general3A_116 = tpu.matmul %get3A_114, %concatenate3A_111, %dot_general3A_115 {dimension_numbers = #tpu.dot_dimension_numbers<[1], [0], [0], [1], [0, 0, 1, 1], [], []>, transpose_lhs_hint = false} : vector<1664x200xbf16>, vector<200x96xbf16>, vector<1664x96xf32> -> vector<1664x96xf32>
    %slice3A_117 = vector.extract_strided_slice %convert_element_type3A {offsets = [576, 0], sizes = [96, 96], strides = [1, 1]} : vector<1536x96xbf16> to vector<96x96xbf16>
    %slice3A_118 = vector.extract_strided_slice %convert_element_type3A_52 {offsets = [576, 0], sizes = [96, 96], strides = [1, 1]} : vector<1536x96xbf16> to vector<96x96xbf16>
    %get3A_119 = arith.constant 0 : index
    %get3A_120 = arith.constant 0 : index
    %get3A_121 = vector.load %arg13[%get3A_119, %get3A_120] : memref<8x96xbf16, #tpu.memory_space<vmem>>, vector<8x96xbf16>
    %concatenate3A_122 = tpu.concatenate %slice3A_117, %slice3A_118, %get3A_121 in 0 : vector<96x96xbf16>, vector<96x96xbf16>, vector<8x96xbf16> -> vector<200x96xbf16>
    %get3A_123 = arith.constant 0 : index
    %get3A_124 = arith.constant 0 : index
    %get3A_125 = vector.load %arg9[%get3A_123, %get3A_124] : memref<1664x200xbf16, #tpu.memory_space<vmem>>, vector<1664x200xbf16>
    %dot_general3A_126 = arith.constant dense<0.000000e+00> : vector<1664x96xf32>
    %dot_general3A_127 = tpu.matmul %get3A_125, %concatenate3A_122, %dot_general3A_126 {dimension_numbers = #tpu.dot_dimension_numbers<[1], [0], [0], [1], [0, 0, 1, 1], [], []>, transpose_lhs_hint = false} : vector<1664x200xbf16>, vector<200x96xbf16>, vector<1664x96xf32> -> vector<1664x96xf32>
    %slice3A_128 = vector.extract_strided_slice %convert_element_type3A {offsets = [672, 0], sizes = [96, 96], strides = [1, 1]} : vector<1536x96xbf16> to vector<96x96xbf16>
    %slice3A_129 = vector.extract_strided_slice %convert_element_type3A_52 {offsets = [672, 0], sizes = [96, 96], strides = [1, 1]} : vector<1536x96xbf16> to vector<96x96xbf16>
    %get3A_130 = arith.constant 0 : index
    %get3A_131 = arith.constant 0 : index
    %get3A_132 = vector.load %arg13[%get3A_130, %get3A_131] : memref<8x96xbf16, #tpu.memory_space<vmem>>, vector<8x96xbf16>
    %concatenate3A_133 = tpu.concatenate %slice3A_128, %slice3A_129, %get3A_132 in 0 : vector<96x96xbf16>, vector<96x96xbf16>, vector<8x96xbf16> -> vector<200x96xbf16>
    %get3A_134 = arith.constant 0 : index
    %get3A_135 = arith.constant 0 : index
    %get3A_136 = vector.load %arg9[%get3A_134, %get3A_135] : memref<1664x200xbf16, #tpu.memory_space<vmem>>, vector<1664x200xbf16>
    %dot_general3A_137 = arith.constant dense<0.000000e+00> : vector<1664x96xf32>
    %dot_general3A_138 = tpu.matmul %get3A_136, %concatenate3A_133, %dot_general3A_137 {dimension_numbers = #tpu.dot_dimension_numbers<[1], [0], [0], [1], [0, 0, 1, 1], [], []>, transpose_lhs_hint = false} : vector<1664x200xbf16>, vector<200x96xbf16>, vector<1664x96xf32> -> vector<1664x96xf32>
    %slice3A_139 = vector.extract_strided_slice %convert_element_type3A {offsets = [768, 0], sizes = [96, 96], strides = [1, 1]} : vector<1536x96xbf16> to vector<96x96xbf16>
    %slice3A_140 = vector.extract_strided_slice %convert_element_type3A_52 {offsets = [768, 0], sizes = [96, 96], strides = [1, 1]} : vector<1536x96xbf16> to vector<96x96xbf16>
    %get3A_141 = arith.constant 0 : index
    %get3A_142 = arith.constant 0 : index
    %get3A_143 = vector.load %arg13[%get3A_141, %get3A_142] : memref<8x96xbf16, #tpu.memory_space<vmem>>, vector<8x96xbf16>
    %concatenate3A_144 = tpu.concatenate %slice3A_139, %slice3A_140, %get3A_143 in 0 : vector<96x96xbf16>, vector<96x96xbf16>, vector<8x96xbf16> -> vector<200x96xbf16>
    %get3A_145 = arith.constant 0 : index
    %get3A_146 = arith.constant 0 : index
    %get3A_147 = vector.load %arg9[%get3A_145, %get3A_146] : memref<1664x200xbf16, #tpu.memory_space<vmem>>, vector<1664x200xbf16>
    %dot_general3A_148 = arith.constant dense<0.000000e+00> : vector<1664x96xf32>
    %dot_general3A_149 = tpu.matmul %get3A_147, %concatenate3A_144, %dot_general3A_148 {dimension_numbers = #tpu.dot_dimension_numbers<[1], [0], [0], [1], [0, 0, 1, 1], [], []>, transpose_lhs_hint = false} : vector<1664x200xbf16>, vector<200x96xbf16>, vector<1664x96xf32> -> vector<1664x96xf32>
    %slice3A_150 = vector.extract_strided_slice %convert_element_type3A {offsets = [864, 0], sizes = [96, 96], strides = [1, 1]} : vector<1536x96xbf16> to vector<96x96xbf16>
    %slice3A_151 = vector.extract_strided_slice %convert_element_type3A_52 {offsets = [864, 0], sizes = [96, 96], strides = [1, 1]} : vector<1536x96xbf16> to vector<96x96xbf16>
    %get3A_152 = arith.constant 0 : index
    %get3A_153 = arith.constant 0 : index
    %get3A_154 = vector.load %arg13[%get3A_152, %get3A_153] : memref<8x96xbf16, #tpu.memory_space<vmem>>, vector<8x96xbf16>
    %concatenate3A_155 = tpu.concatenate %slice3A_150, %slice3A_151, %get3A_154 in 0 : vector<96x96xbf16>, vector<96x96xbf16>, vector<8x96xbf16> -> vector<200x96xbf16>
    %get3A_156 = arith.constant 0 : index
    %get3A_157 = arith.constant 0 : index
    %get3A_158 = vector.load %arg9[%get3A_156, %get3A_157] : memref<1664x200xbf16, #tpu.memory_space<vmem>>, vector<1664x200xbf16>
    %dot_general3A_159 = arith.constant dense<0.000000e+00> : vector<1664x96xf32>
    %dot_general3A_160 = tpu.matmul %get3A_158, %concatenate3A_155, %dot_general3A_159 {dimension_numbers = #tpu.dot_dimension_numbers<[1], [0], [0], [1], [0, 0, 1, 1], [], []>, transpose_lhs_hint = false} : vector<1664x200xbf16>, vector<200x96xbf16>, vector<1664x96xf32> -> vector<1664x96xf32>
    %slice3A_161 = vector.extract_strided_slice %convert_element_type3A {offsets = [960, 0], sizes = [96, 96], strides = [1, 1]} : vector<1536x96xbf16> to vector<96x96xbf16>
    %slice3A_162 = vector.extract_strided_slice %convert_element_type3A_52 {offsets = [960, 0], sizes = [96, 96], strides = [1, 1]} : vector<1536x96xbf16> to vector<96x96xbf16>
    %get3A_163 = arith.constant 0 : index
    %get3A_164 = arith.constant 0 : index
    %get3A_165 = vector.load %arg13[%get3A_163, %get3A_164] : memref<8x96xbf16, #tpu.memory_space<vmem>>, vector<8x96xbf16>
    %concatenate3A_166 = tpu.concatenate %slice3A_161, %slice3A_162, %get3A_165 in 0 : vector<96x96xbf16>, vector<96x96xbf16>, vector<8x96xbf16> -> vector<200x96xbf16>
    %get3A_167 = arith.constant 0 : index
    %get3A_168 = arith.constant 0 : index
    %get3A_169 = vector.load %arg9[%get3A_167, %get3A_168] : memref<1664x200xbf16, #tpu.memory_space<vmem>>, vector<1664x200xbf16>
    %dot_general3A_170 = arith.constant dense<0.000000e+00> : vector<1664x96xf32>
    %dot_general3A_171 = tpu.matmul %get3A_169, %concatenate3A_166, %dot_general3A_170 {dimension_numbers = #tpu.dot_dimension_numbers<[1], [0], [0], [1], [0, 0, 1, 1], [], []>, transpose_lhs_hint = false} : vector<1664x200xbf16>, vector<200x96xbf16>, vector<1664x96xf32> -> vector<1664x96xf32>
    %slice3A_172 = vector.extract_strided_slice %convert_element_type3A {offsets = [1056, 0], sizes = [96, 96], strides = [1, 1]} : vector<1536x96xbf16> to vector<96x96xbf16>
    %slice3A_173 = vector.extract_strided_slice %convert_element_type3A_52 {offsets = [1056, 0], sizes = [96, 96], strides = [1, 1]} : vector<1536x96xbf16> to vector<96x96xbf16>
    %get3A_174 = arith.constant 0 : index
    %get3A_175 = arith.constant 0 : index
    %get3A_176 = vector.load %arg13[%get3A_174, %get3A_175] : memref<8x96xbf16, #tpu.memory_space<vmem>>, vector<8x96xbf16>
    %concatenate3A_177 = tpu.concatenate %slice3A_172, %slice3A_173, %get3A_176 in 0 : vector<96x96xbf16>, vector<96x96xbf16>, vector<8x96xbf16> -> vector<200x96xbf16>
    %get3A_178 = arith.constant 0 : index
    %get3A_179 = arith.constant 0 : index
    %get3A_180 = vector.load %arg9[%get3A_178, %get3A_179] : memref<1664x200xbf16, #tpu.memory_space<vmem>>, vector<1664x200xbf16>
    %dot_general3A_181 = arith.constant dense<0.000000e+00> : vector<1664x96xf32>
    %dot_general3A_182 = tpu.matmul %get3A_180, %concatenate3A_177, %dot_general3A_181 {dimension_numbers = #tpu.dot_dimension_numbers<[1], [0], [0], [1], [0, 0, 1, 1], [], []>, transpose_lhs_hint = false} : vector<1664x200xbf16>, vector<200x96xbf16>, vector<1664x96xf32> -> vector<1664x96xf32>
    %slice3A_183 = vector.extract_strided_slice %convert_element_type3A {offsets = [1152, 0], sizes = [96, 96], strides = [1, 1]} : vector<1536x96xbf16> to vector<96x96xbf16>
    %slice3A_184 = vector.extract_strided_slice %convert_element_type3A_52 {offsets = [1152, 0], sizes = [96, 96], strides = [1, 1]} : vector<1536x96xbf16> to vector<96x96xbf16>
    %get3A_185 = arith.constant 0 : index
    %get3A_186 = arith.constant 0 : index
    %get3A_187 = vector.load %arg13[%get3A_185, %get3A_186] : memref<8x96xbf16, #tpu.memory_space<vmem>>, vector<8x96xbf16>
    %concatenate3A_188 = tpu.concatenate %slice3A_183, %slice3A_184, %get3A_187 in 0 : vector<96x96xbf16>, vector<96x96xbf16>, vector<8x96xbf16> -> vector<200x96xbf16>
    %get3A_189 = arith.constant 0 : index
    %get3A_190 = arith.constant 0 : index
    %get3A_191 = vector.load %arg9[%get3A_189, %get3A_190] : memref<1664x200xbf16, #tpu.memory_space<vmem>>, vector<1664x200xbf16>
    %dot_general3A_192 = arith.constant dense<0.000000e+00> : vector<1664x96xf32>
    %dot_general3A_193 = tpu.matmul %get3A_191, %concatenate3A_188, %dot_general3A_192 {dimension_numbers = #tpu.dot_dimension_numbers<[1], [0], [0], [1], [0, 0, 1, 1], [], []>, transpose_lhs_hint = false} : vector<1664x200xbf16>, vector<200x96xbf16>, vector<1664x96xf32> -> vector<1664x96xf32>
    %slice3A_194 = vector.extract_strided_slice %convert_element_type3A {offsets = [1248, 0], sizes = [96, 96], strides = [1, 1]} : vector<1536x96xbf16> to vector<96x96xbf16>
    %slice3A_195 = vector.extract_strided_slice %convert_element_type3A_52 {offsets = [1248, 0], sizes = [96, 96], strides = [1, 1]} : vector<1536x96xbf16> to vector<96x96xbf16>
    %get3A_196 = arith.constant 0 : index
    %get3A_197 = arith.constant 0 : index
    %get3A_198 = vector.load %arg13[%get3A_196, %get3A_197] : memref<8x96xbf16, #tpu.memory_space<vmem>>, vector<8x96xbf16>
    %concatenate3A_199 = tpu.concatenate %slice3A_194, %slice3A_195, %get3A_198 in 0 : vector<96x96xbf16>, vector<96x96xbf16>, vector<8x96xbf16> -> vector<200x96xbf16>
    %get3A_200 = arith.constant 0 : index
    %get3A_201 = arith.constant 0 : index
    %get3A_202 = vector.load %arg9[%get3A_200, %get3A_201] : memref<1664x200xbf16, #tpu.memory_space<vmem>>, vector<1664x200xbf16>
    %dot_general3A_203 = arith.constant dense<0.000000e+00> : vector<1664x96xf32>
    %dot_general3A_204 = tpu.matmul %get3A_202, %concatenate3A_199, %dot_general3A_203 {dimension_numbers = #tpu.dot_dimension_numbers<[1], [0], [0], [1], [0, 0, 1, 1], [], []>, transpose_lhs_hint = false} : vector<1664x200xbf16>, vector<200x96xbf16>, vector<1664x96xf32> -> vector<1664x96xf32>
    %slice3A_205 = vector.extract_strided_slice %convert_element_type3A {offsets = [1344, 0], sizes = [96, 96], strides = [1, 1]} : vector<1536x96xbf16> to vector<96x96xbf16>
    %slice3A_206 = vector.extract_strided_slice %convert_element_type3A_52 {offsets = [1344, 0], sizes = [96, 96], strides = [1, 1]} : vector<1536x96xbf16> to vector<96x96xbf16>
    %get3A_207 = arith.constant 0 : index
    %get3A_208 = arith.constant 0 : index
    %get3A_209 = vector.load %arg13[%get3A_207, %get3A_208] : memref<8x96xbf16, #tpu.memory_space<vmem>>, vector<8x96xbf16>
    %concatenate3A_210 = tpu.concatenate %slice3A_205, %slice3A_206, %get3A_209 in 0 : vector<96x96xbf16>, vector<96x96xbf16>, vector<8x96xbf16> -> vector<200x96xbf16>
    %get3A_211 = arith.constant 0 : index
    %get3A_212 = arith.constant 0 : index
    %get3A_213 = vector.load %arg9[%get3A_211, %get3A_212] : memref<1664x200xbf16, #tpu.memory_space<vmem>>, vector<1664x200xbf16>
    %dot_general3A_214 = arith.constant dense<0.000000e+00> : vector<1664x96xf32>
    %dot_general3A_215 = tpu.matmul %get3A_213, %concatenate3A_210, %dot_general3A_214 {dimension_numbers = #tpu.dot_dimension_numbers<[1], [0], [0], [1], [0, 0, 1, 1], [], []>, transpose_lhs_hint = false} : vector<1664x200xbf16>, vector<200x96xbf16>, vector<1664x96xf32> -> vector<1664x96xf32>
    %slice3A_216 = vector.extract_strided_slice %convert_element_type3A {offsets = [1440, 0], sizes = [96, 96], strides = [1, 1]} : vector<1536x96xbf16> to vector<96x96xbf16>
    %slice3A_217 = vector.extract_strided_slice %convert_element_type3A_52 {offsets = [1440, 0], sizes = [96, 96], strides = [1, 1]} : vector<1536x96xbf16> to vector<96x96xbf16>
    %get3A_218 = arith.constant 0 : index
    %get3A_219 = arith.constant 0 : index
    %get3A_220 = vector.load %arg13[%get3A_218, %get3A_219] : memref<8x96xbf16, #tpu.memory_space<vmem>>, vector<8x96xbf16>
    %concatenate3A_221 = tpu.concatenate %slice3A_216, %slice3A_217, %get3A_220 in 0 : vector<96x96xbf16>, vector<96x96xbf16>, vector<8x96xbf16> -> vector<200x96xbf16>
    %get3A_222 = arith.constant 0 : index
    %get3A_223 = arith.constant 0 : index
    %get3A_224 = vector.load %arg9[%get3A_222, %get3A_223] : memref<1664x200xbf16, #tpu.memory_space<vmem>>, vector<1664x200xbf16>
    %dot_general3A_225 = arith.constant dense<0.000000e+00> : vector<1664x96xf32>
    %dot_general3A_226 = tpu.matmul %get3A_224, %concatenate3A_221, %dot_general3A_225 {dimension_numbers = #tpu.dot_dimension_numbers<[1], [0], [0], [1], [0, 0, 1, 1], [], []>, transpose_lhs_hint = false} : vector<1664x200xbf16>, vector<200x96xbf16>, vector<1664x96xf32> -> vector<1664x96xf32>
    %concatenate3A_227 = tpu.concatenate %dot_general3A_61, %dot_general3A_72, %dot_general3A_83, %dot_general3A_94, %dot_general3A_105, %dot_general3A_116, %dot_general3A_127, %dot_general3A_138, %dot_general3A_149, %dot_general3A_160, %dot_general3A_171, %dot_general3A_182, %dot_general3A_193, %dot_general3A_204, %dot_general3A_215, %dot_general3A_226 in 0 : vector<1664x96xf32>, vector<1664x96xf32>, vector<1664x96xf32>, vector<1664x96xf32>, vector<1664x96xf32>, vector<1664x96xf32>, vector<1664x96xf32>, vector<1664x96xf32>, vector<1664x96xf32>, vector<1664x96xf32>, vector<1664x96xf32>, vector<1664x96xf32>, vector<1664x96xf32>, vector<1664x96xf32>, vector<1664x96xf32>, vector<1664x96xf32> -> vector<26624x96xf32>
    %max3A_228 = arith.constant 0.000000e+00 : f32
    %max3A_229 = vector.broadcast %max3A_228 : f32 to vector<26624x96xf32>
    %max3A_230 = arith.maximumf %concatenate3A_227, %max3A_229 : vector<26624x96xf32>
    %get3A_231 = arith.constant 0 : index
    %get3A_232 = arith.constant 0 : index
    %get3A_233 = vector.load %arg14[%get3A_231, %get3A_232] : memref<96x96xf32, #tpu.memory_space<vmem>>, vector<96x96xf32>
    %dot_general3A_234 = arith.constant dense<0.000000e+00> : vector<26624x96xf32>
    %dot_general3A_235 = tpu.matmul %max3A_230, %get3A_233, %dot_general3A_234 {dimension_numbers = #tpu.dot_dimension_numbers<[1], [0], [0], [1], [0, 0, 1, 1], [], []>, transpose_lhs_hint = false} : vector<26624x96xf32>, vector<96x96xf32>, vector<26624x96xf32> -> vector<26624x96xf32>
    %get3A_236 = arith.constant 0 : index
    %get3A_237 = arith.constant 0 : index
    %get3A_238 = vector.load %arg15[%get3A_236, %get3A_237] : memref<1x96xf32, #tpu.memory_space<vmem>>, vector<1x96xf32>
    %add3A_239 = vector.broadcast %get3A_238 : vector<1x96xf32> to vector<26624x96xf32>
    %add3A_240 = arith.addf %dot_general3A_235, %add3A_239 : vector<26624x96xf32>
    %max3A_241 = arith.constant 0.000000e+00 : f32
    %max3A_242 = vector.broadcast %max3A_241 : f32 to vector<26624x96xf32>
    %max3A_243 = arith.maximumf %add3A_240, %max3A_242 : vector<26624x96xf32>
    %get3A_244 = arith.constant 0 : index
    %get3A_245 = arith.constant 0 : index
    %get3A_246 = vector.load %arg10[%get3A_244, %get3A_245] : memref<96x1664xf32, #tpu.memory_space<vmem>>, vector<96x1664xf32>
    %slice3A_247 = vector.extract_strided_slice %max3A_243 {offsets = [0, 0], sizes = [1664, 96], strides = [1, 1]} : vector<26624x96xf32> to vector<1664x96xf32>
    %dot_general3A_248 = arith.constant dense<0.000000e+00> : vector<96x96xf32>
    %dot_general3A_249 = tpu.matmul %get3A_246, %slice3A_247, %dot_general3A_248 {dimension_numbers = #tpu.dot_dimension_numbers<[1], [0], [0], [1], [0, 0, 1, 1], [], []>, transpose_lhs_hint = false} : vector<96x1664xf32>, vector<1664x96xf32>, vector<96x96xf32> -> vector<96x96xf32>
    %get3A_250 = arith.constant 0 : index
    %get3A_251 = arith.constant 0 : index
    %get3A_252 = vector.load %arg10[%get3A_250, %get3A_251] : memref<96x1664xf32, #tpu.memory_space<vmem>>, vector<96x1664xf32>
    %slice3A_253 = vector.extract_strided_slice %max3A_243 {offsets = [1664, 0], sizes = [1664, 96], strides = [1, 1]} : vector<26624x96xf32> to vector<1664x96xf32>
    %dot_general3A_254 = arith.constant dense<0.000000e+00> : vector<96x96xf32>
    %dot_general3A_255 = tpu.matmul %get3A_252, %slice3A_253, %dot_general3A_254 {dimension_numbers = #tpu.dot_dimension_numbers<[1], [0], [0], [1], [0, 0, 1, 1], [], []>, transpose_lhs_hint = false} : vector<96x1664xf32>, vector<1664x96xf32>, vector<96x96xf32> -> vector<96x96xf32>
    %get3A_256 = arith.constant 0 : index
    %get3A_257 = arith.constant 0 : index
    %get3A_258 = vector.load %arg10[%get3A_256, %get3A_257] : memref<96x1664xf32, #tpu.memory_space<vmem>>, vector<96x1664xf32>
    %slice3A_259 = vector.extract_strided_slice %max3A_243 {offsets = [3328, 0], sizes = [1664, 96], strides = [1, 1]} : vector<26624x96xf32> to vector<1664x96xf32>
    %dot_general3A_260 = arith.constant dense<0.000000e+00> : vector<96x96xf32>
    %dot_general3A_261 = tpu.matmul %get3A_258, %slice3A_259, %dot_general3A_260 {dimension_numbers = #tpu.dot_dimension_numbers<[1], [0], [0], [1], [0, 0, 1, 1], [], []>, transpose_lhs_hint = false} : vector<96x1664xf32>, vector<1664x96xf32>, vector<96x96xf32> -> vector<96x96xf32>
    %get3A_262 = arith.constant 0 : index
    %get3A_263 = arith.constant 0 : index
    %get3A_264 = vector.load %arg10[%get3A_262, %get3A_263] : memref<96x1664xf32, #tpu.memory_space<vmem>>, vector<96x1664xf32>
    %slice3A_265 = vector.extract_strided_slice %max3A_243 {offsets = [4992, 0], sizes = [1664, 96], strides = [1, 1]} : vector<26624x96xf32> to vector<1664x96xf32>
    %dot_general3A_266 = arith.constant dense<0.000000e+00> : vector<96x96xf32>
    %dot_general3A_267 = tpu.matmul %get3A_264, %slice3A_265, %dot_general3A_266 {dimension_numbers = #tpu.dot_dimension_numbers<[1], [0], [0], [1], [0, 0, 1, 1], [], []>, transpose_lhs_hint = false} : vector<96x1664xf32>, vector<1664x96xf32>, vector<96x96xf32> -> vector<96x96xf32>
    %get3A_268 = arith.constant 0 : index
    %get3A_269 = arith.constant 0 : index
    %get3A_270 = vector.load %arg10[%get3A_268, %get3A_269] : memref<96x1664xf32, #tpu.memory_space<vmem>>, vector<96x1664xf32>
    %slice3A_271 = vector.extract_strided_slice %max3A_243 {offsets = [6656, 0], sizes = [1664, 96], strides = [1, 1]} : vector<26624x96xf32> to vector<1664x96xf32>
    %dot_general3A_272 = arith.constant dense<0.000000e+00> : vector<96x96xf32>
    %dot_general3A_273 = tpu.matmul %get3A_270, %slice3A_271, %dot_general3A_272 {dimension_numbers = #tpu.dot_dimension_numbers<[1], [0], [0], [1], [0, 0, 1, 1], [], []>, transpose_lhs_hint = false} : vector<96x1664xf32>, vector<1664x96xf32>, vector<96x96xf32> -> vector<96x96xf32>
    %get3A_274 = arith.constant 0 : index
    %get3A_275 = arith.constant 0 : index
    %get3A_276 = vector.load %arg10[%get3A_274, %get3A_275] : memref<96x1664xf32, #tpu.memory_space<vmem>>, vector<96x1664xf32>
    %slice3A_277 = vector.extract_strided_slice %max3A_243 {offsets = [8320, 0], sizes = [1664, 96], strides = [1, 1]} : vector<26624x96xf32> to vector<1664x96xf32>
    %dot_general3A_278 = arith.constant dense<0.000000e+00> : vector<96x96xf32>
    %dot_general3A_279 = tpu.matmul %get3A_276, %slice3A_277, %dot_general3A_278 {dimension_numbers = #tpu.dot_dimension_numbers<[1], [0], [0], [1], [0, 0, 1, 1], [], []>, transpose_lhs_hint = false} : vector<96x1664xf32>, vector<1664x96xf32>, vector<96x96xf32> -> vector<96x96xf32>
    %get3A_280 = arith.constant 0 : index
    %get3A_281 = arith.constant 0 : index
    %get3A_282 = vector.load %arg10[%get3A_280, %get3A_281] : memref<96x1664xf32, #tpu.memory_space<vmem>>, vector<96x1664xf32>
    %slice3A_283 = vector.extract_strided_slice %max3A_243 {offsets = [9984, 0], sizes = [1664, 96], strides = [1, 1]} : vector<26624x96xf32> to vector<1664x96xf32>
    %dot_general3A_284 = arith.constant dense<0.000000e+00> : vector<96x96xf32>
    %dot_general3A_285 = tpu.matmul %get3A_282, %slice3A_283, %dot_general3A_284 {dimension_numbers = #tpu.dot_dimension_numbers<[1], [0], [0], [1], [0, 0, 1, 1], [], []>, transpose_lhs_hint = false} : vector<96x1664xf32>, vector<1664x96xf32>, vector<96x96xf32> -> vector<96x96xf32>
    %get3A_286 = arith.constant 0 : index
    %get3A_287 = arith.constant 0 : index
    %get3A_288 = vector.load %arg10[%get3A_286, %get3A_287] : memref<96x1664xf32, #tpu.memory_space<vmem>>, vector<96x1664xf32>
    %slice3A_289 = vector.extract_strided_slice %max3A_243 {offsets = [11648, 0], sizes = [1664, 96], strides = [1, 1]} : vector<26624x96xf32> to vector<1664x96xf32>
    %dot_general3A_290 = arith.constant dense<0.000000e+00> : vector<96x96xf32>
    %dot_general3A_291 = tpu.matmul %get3A_288, %slice3A_289, %dot_general3A_290 {dimension_numbers = #tpu.dot_dimension_numbers<[1], [0], [0], [1], [0, 0, 1, 1], [], []>, transpose_lhs_hint = false} : vector<96x1664xf32>, vector<1664x96xf32>, vector<96x96xf32> -> vector<96x96xf32>
    %get3A_292 = arith.constant 0 : index
    %get3A_293 = arith.constant 0 : index
    %get3A_294 = vector.load %arg10[%get3A_292, %get3A_293] : memref<96x1664xf32, #tpu.memory_space<vmem>>, vector<96x1664xf32>
    %slice3A_295 = vector.extract_strided_slice %max3A_243 {offsets = [13312, 0], sizes = [1664, 96], strides = [1, 1]} : vector<26624x96xf32> to vector<1664x96xf32>
    %dot_general3A_296 = arith.constant dense<0.000000e+00> : vector<96x96xf32>
    %dot_general3A_297 = tpu.matmul %get3A_294, %slice3A_295, %dot_general3A_296 {dimension_numbers = #tpu.dot_dimension_numbers<[1], [0], [0], [1], [0, 0, 1, 1], [], []>, transpose_lhs_hint = false} : vector<96x1664xf32>, vector<1664x96xf32>, vector<96x96xf32> -> vector<96x96xf32>
    %get3A_298 = arith.constant 0 : index
    %get3A_299 = arith.constant 0 : index
    %get3A_300 = vector.load %arg10[%get3A_298, %get3A_299] : memref<96x1664xf32, #tpu.memory_space<vmem>>, vector<96x1664xf32>
    %slice3A_301 = vector.extract_strided_slice %max3A_243 {offsets = [14976, 0], sizes = [1664, 96], strides = [1, 1]} : vector<26624x96xf32> to vector<1664x96xf32>
    %dot_general3A_302 = arith.constant dense<0.000000e+00> : vector<96x96xf32>
    %dot_general3A_303 = tpu.matmul %get3A_300, %slice3A_301, %dot_general3A_302 {dimension_numbers = #tpu.dot_dimension_numbers<[1], [0], [0], [1], [0, 0, 1, 1], [], []>, transpose_lhs_hint = false} : vector<96x1664xf32>, vector<1664x96xf32>, vector<96x96xf32> -> vector<96x96xf32>
    %get3A_304 = arith.constant 0 : index
    %get3A_305 = arith.constant 0 : index
    %get3A_306 = vector.load %arg10[%get3A_304, %get3A_305] : memref<96x1664xf32, #tpu.memory_space<vmem>>, vector<96x1664xf32>
    %slice3A_307 = vector.extract_strided_slice %max3A_243 {offsets = [16640, 0], sizes = [1664, 96], strides = [1, 1]} : vector<26624x96xf32> to vector<1664x96xf32>
    %dot_general3A_308 = arith.constant dense<0.000000e+00> : vector<96x96xf32>
    %dot_general3A_309 = tpu.matmul %get3A_306, %slice3A_307, %dot_general3A_308 {dimension_numbers = #tpu.dot_dimension_numbers<[1], [0], [0], [1], [0, 0, 1, 1], [], []>, transpose_lhs_hint = false} : vector<96x1664xf32>, vector<1664x96xf32>, vector<96x96xf32> -> vector<96x96xf32>
    %get3A_310 = arith.constant 0 : index
    %get3A_311 = arith.constant 0 : index
    %get3A_312 = vector.load %arg10[%get3A_310, %get3A_311] : memref<96x1664xf32, #tpu.memory_space<vmem>>, vector<96x1664xf32>
    %slice3A_313 = vector.extract_strided_slice %max3A_243 {offsets = [18304, 0], sizes = [1664, 96], strides = [1, 1]} : vector<26624x96xf32> to vector<1664x96xf32>
    %dot_general3A_314 = arith.constant dense<0.000000e+00> : vector<96x96xf32>
    %dot_general3A_315 = tpu.matmul %get3A_312, %slice3A_313, %dot_general3A_314 {dimension_numbers = #tpu.dot_dimension_numbers<[1], [0], [0], [1], [0, 0, 1, 1], [], []>, transpose_lhs_hint = false} : vector<96x1664xf32>, vector<1664x96xf32>, vector<96x96xf32> -> vector<96x96xf32>
    %get3A_316 = arith.constant 0 : index
    %get3A_317 = arith.constant 0 : index
    %get3A_318 = vector.load %arg10[%get3A_316, %get3A_317] : memref<96x1664xf32, #tpu.memory_space<vmem>>, vector<96x1664xf32>
    %slice3A_319 = vector.extract_strided_slice %max3A_243 {offsets = [19968, 0], sizes = [1664, 96], strides = [1, 1]} : vector<26624x96xf32> to vector<1664x96xf32>
    %dot_general3A_320 = arith.constant dense<0.000000e+00> : vector<96x96xf32>
    %dot_general3A_321 = tpu.matmul %get3A_318, %slice3A_319, %dot_general3A_320 {dimension_numbers = #tpu.dot_dimension_numbers<[1], [0], [0], [1], [0, 0, 1, 1], [], []>, transpose_lhs_hint = false} : vector<96x1664xf32>, vector<1664x96xf32>, vector<96x96xf32> -> vector<96x96xf32>
    %get3A_322 = arith.constant 0 : index
    %get3A_323 = arith.constant 0 : index
    %get3A_324 = vector.load %arg10[%get3A_322, %get3A_323] : memref<96x1664xf32, #tpu.memory_space<vmem>>, vector<96x1664xf32>
    %slice3A_325 = vector.extract_strided_slice %max3A_243 {offsets = [21632, 0], sizes = [1664, 96], strides = [1, 1]} : vector<26624x96xf32> to vector<1664x96xf32>
    %dot_general3A_326 = arith.constant dense<0.000000e+00> : vector<96x96xf32>
    %dot_general3A_327 = tpu.matmul %get3A_324, %slice3A_325, %dot_general3A_326 {dimension_numbers = #tpu.dot_dimension_numbers<[1], [0], [0], [1], [0, 0, 1, 1], [], []>, transpose_lhs_hint = false} : vector<96x1664xf32>, vector<1664x96xf32>, vector<96x96xf32> -> vector<96x96xf32>
    %get3A_328 = arith.constant 0 : index
    %get3A_329 = arith.constant 0 : index
    %get3A_330 = vector.load %arg10[%get3A_328, %get3A_329] : memref<96x1664xf32, #tpu.memory_space<vmem>>, vector<96x1664xf32>
    %slice3A_331 = vector.extract_strided_slice %max3A_243 {offsets = [23296, 0], sizes = [1664, 96], strides = [1, 1]} : vector<26624x96xf32> to vector<1664x96xf32>
    %dot_general3A_332 = arith.constant dense<0.000000e+00> : vector<96x96xf32>
    %dot_general3A_333 = tpu.matmul %get3A_330, %slice3A_331, %dot_general3A_332 {dimension_numbers = #tpu.dot_dimension_numbers<[1], [0], [0], [1], [0, 0, 1, 1], [], []>, transpose_lhs_hint = false} : vector<96x1664xf32>, vector<1664x96xf32>, vector<96x96xf32> -> vector<96x96xf32>
    %get3A_334 = arith.constant 0 : index
    %get3A_335 = arith.constant 0 : index
    %get3A_336 = vector.load %arg10[%get3A_334, %get3A_335] : memref<96x1664xf32, #tpu.memory_space<vmem>>, vector<96x1664xf32>
    %slice3A_337 = vector.extract_strided_slice %max3A_243 {offsets = [24960, 0], sizes = [1664, 96], strides = [1, 1]} : vector<26624x96xf32> to vector<1664x96xf32>
    %dot_general3A_338 = arith.constant dense<0.000000e+00> : vector<96x96xf32>
    %dot_general3A_339 = tpu.matmul %get3A_336, %slice3A_337, %dot_general3A_338 {dimension_numbers = #tpu.dot_dimension_numbers<[1], [0], [0], [1], [0, 0, 1, 1], [], []>, transpose_lhs_hint = false} : vector<96x1664xf32>, vector<1664x96xf32>, vector<96x96xf32> -> vector<96x96xf32>
    %concatenate3A_340 = tpu.concatenate %dot_general3A_249, %dot_general3A_255, %dot_general3A_261, %dot_general3A_267, %dot_general3A_273, %dot_general3A_279, %dot_general3A_285, %dot_general3A_291, %dot_general3A_297, %dot_general3A_303, %dot_general3A_309, %dot_general3A_315, %dot_general3A_321, %dot_general3A_327, %dot_general3A_333, %dot_general3A_339 in 0 : vector<96x96xf32>, vector<96x96xf32>, vector<96x96xf32>, vector<96x96xf32>, vector<96x96xf32>, vector<96x96xf32>, vector<96x96xf32>, vector<96x96xf32>, vector<96x96xf32>, vector<96x96xf32>, vector<96x96xf32>, vector<96x96xf32>, vector<96x96xf32>, vector<96x96xf32>, vector<96x96xf32>, vector<96x96xf32> -> vector<1536x96xf32>
    %get3A_341 = arith.constant 0 : index
    %get3A_342 = arith.constant 0 : index
    %get3A_343 = vector.load %arg16[%get3A_341, %get3A_342] : memref<96x96xf32, #tpu.memory_space<vmem>>, vector<96x96xf32>
    %dot_general3A_344 = arith.constant dense<0.000000e+00> : vector<1536x96xf32>
    %dot_general3A_345 = tpu.matmul %concatenate3A_340, %get3A_343, %dot_general3A_344 {dimension_numbers = #tpu.dot_dimension_numbers<[1], [0], [0], [1], [0, 0, 1, 1], [], []>, transpose_lhs_hint = false} : vector<1536x96xf32>, vector<96x96xf32>, vector<1536x96xf32> -> vector<1536x96xf32>
    %get3A_346 = arith.constant 0 : index
    %get3A_347 = arith.constant 0 : index
    %get3A_348 = vector.load %arg17[%get3A_346, %get3A_347] : memref<1x96xf32, #tpu.memory_space<vmem>>, vector<1x96xf32>
    %add3A_349 = vector.broadcast %get3A_348 : vector<1x96xf32> to vector<1536x96xf32>
    %add3A_350 = arith.addf %dot_general3A_345, %add3A_349 : vector<1536x96xf32>
    %get3A_351 = arith.constant 0 : index
    %get3A_352 = arith.constant 0 : index
    %get3A_353 = vector.load %arg18[%get3A_351, %get3A_352] : memref<96x96xf32, #tpu.memory_space<vmem>>, vector<96x96xf32>
    %dot_general3A_354 = arith.constant dense<0.000000e+00> : vector<1536x96xf32>
    %dot_general3A_355 = tpu.matmul %add3A_36, %get3A_353, %dot_general3A_354 {dimension_numbers = #tpu.dot_dimension_numbers<[1], [0], [0], [1], [0, 0, 1, 1], [], []>, transpose_lhs_hint = false} : vector<1536x96xf32>, vector<96x96xf32>, vector<1536x96xf32> -> vector<1536x96xf32>
    %get3A_356 = arith.constant 0 : index
    %get3A_357 = arith.constant 0 : index
    %get3A_358 = vector.load %arg19[%get3A_356, %get3A_357] : memref<96x96xf32, #tpu.memory_space<vmem>>, vector<96x96xf32>
    %dot_general3A_359 = arith.constant dense<0.000000e+00> : vector<1536x96xf32>
    %dot_general3A_360 = tpu.matmul %add3A_350, %get3A_358, %dot_general3A_359 {dimension_numbers = #tpu.dot_dimension_numbers<[1], [0], [0], [1], [0, 0, 1, 1], [], []>, transpose_lhs_hint = false} : vector<1536x96xf32>, vector<96x96xf32>, vector<1536x96xf32> -> vector<1536x96xf32>
    %add3A_361 = arith.addf %dot_general3A_355, %dot_general3A_360 : vector<1536x96xf32>
    %get3A_362 = arith.constant 0 : index
    %get3A_363 = arith.constant 0 : index
    %get3A_364 = vector.load %arg20[%get3A_362, %get3A_363] : memref<1x96xf32, #tpu.memory_space<vmem>>, vector<1x96xf32>
    %add3A_365 = vector.broadcast %get3A_364 : vector<1x96xf32> to vector<1536x96xf32>
    %add3A_366 = arith.addf %add3A_361, %add3A_365 : vector<1536x96xf32>
    %max3A_367 = arith.constant 0.000000e+00 : f32
    %max3A_368 = vector.broadcast %max3A_367 : f32 to vector<1536x96xf32>
    %max3A_369 = arith.maximumf %add3A_366, %max3A_368 : vector<1536x96xf32>
    %get3A_370 = arith.constant 0 : index
    %get3A_371 = arith.constant 0 : index
    %get3A_372 = vector.load %arg21[%get3A_370, %get3A_371] : memref<96x96xf32, #tpu.memory_space<vmem>>, vector<96x96xf32>
    %dot_general3A_373 = arith.constant dense<0.000000e+00> : vector<1536x96xf32>
    %dot_general3A_374 = tpu.matmul %max3A_369, %get3A_372, %dot_general3A_373 {dimension_numbers = #tpu.dot_dimension_numbers<[1], [0], [0], [1], [0, 0, 1, 1], [], []>, transpose_lhs_hint = false} : vector<1536x96xf32>, vector<96x96xf32>, vector<1536x96xf32> -> vector<1536x96xf32>
    %get3A_375 = arith.constant 0 : index
    %get3A_376 = arith.constant 0 : index
    %get3A_377 = vector.load %arg22[%get3A_375, %get3A_376] : memref<1x96xf32, #tpu.memory_space<vmem>>, vector<1x96xf32>
    %add3A_378 = vector.broadcast %get3A_377 : vector<1x96xf32> to vector<1536x96xf32>
    %add3A_379 = arith.addf %dot_general3A_374, %add3A_378 : vector<1536x96xf32>
    %max3A_380 = arith.constant 0.000000e+00 : f32
    %max3A_381 = vector.broadcast %max3A_380 : f32 to vector<1536x96xf32>
    %max3A_382 = arith.maximumf %add3A_379, %max3A_381 : vector<1536x96xf32>
    %get3A_383 = arith.constant 0 : index
    %get3A_384 = arith.constant 0 : index
    %get3A_385 = vector.load %arg23[%get3A_383, %get3A_384] : memref<96x96xf32, #tpu.memory_space<vmem>>, vector<96x96xf32>
    %dot_general3A_386 = arith.constant dense<0.000000e+00> : vector<1536x96xf32>
    %dot_general3A_387 = tpu.matmul %max3A_382, %get3A_385, %dot_general3A_386 {dimension_numbers = #tpu.dot_dimension_numbers<[1], [0], [0], [1], [0, 0, 1, 1], [], []>, transpose_lhs_hint = false} : vector<1536x96xf32>, vector<96x96xf32>, vector<1536x96xf32> -> vector<1536x96xf32>
    %get3A_388 = arith.constant 0 : index
    %get3A_389 = arith.constant 0 : index
    %get3A_390 = vector.load %arg24[%get3A_388, %get3A_389] : memref<1x96xf32, #tpu.memory_space<vmem>>, vector<1x96xf32>
    %add3A_391 = vector.broadcast %get3A_390 : vector<1x96xf32> to vector<1536x96xf32>
    %add3A_392 = arith.addf %dot_general3A_387, %add3A_391 : vector<1536x96xf32>
    %get3A_393 = arith.constant 0 : index
    %get3A_394 = arith.constant 0 : index
    %get3A_395 = vector.load %arg25[%get3A_393, %get3A_394] : memref<96x384xf32, #tpu.memory_space<vmem>>, vector<96x384xf32>
    %dot_general3A_396 = arith.constant dense<0.000000e+00> : vector<1536x384xf32>
    %dot_general3A_397 = tpu.matmul %add3A_392, %get3A_395, %dot_general3A_396 {dimension_numbers = #tpu.dot_dimension_numbers<[1], [0], [0], [1], [0, 0, 1, 1], [], []>, transpose_lhs_hint = false} : vector<1536x96xf32>, vector<96x384xf32>, vector<1536x384xf32> -> vector<1536x384xf32>
    %get3A_398 = arith.constant 0 : index
    %get3A_399 = arith.constant 0 : index
    %get3A_400 = vector.load %arg26[%get3A_398, %get3A_399] : memref<96x384xf32, #tpu.memory_space<vmem>>, vector<96x384xf32>
    %dot_general3A_401 = arith.constant dense<0.000000e+00> : vector<1536x384xf32>
    %dot_general3A_402 = tpu.matmul %add3A_36, %get3A_400, %dot_general3A_401 {dimension_numbers = #tpu.dot_dimension_numbers<[1], [0], [0], [1], [0, 0, 1, 1], [], []>, transpose_lhs_hint = false} : vector<1536x96xf32>, vector<96x384xf32>, vector<1536x384xf32> -> vector<1536x384xf32>
    %add3A_403 = arith.addf %dot_general3A_397, %dot_general3A_402 : vector<1536x384xf32>
    %get3A_404 = arith.constant 0 : index
    %get3A_405 = arith.constant 0 : index
    %get3A_406 = vector.load %arg27[%get3A_404, %get3A_405] : memref<1x384xf32, #tpu.memory_space<vmem>>, vector<1x384xf32>
    %add3A_407 = vector.broadcast %get3A_406 : vector<1x384xf32> to vector<1536x384xf32>
    %add3A_408 = arith.addf %add3A_403, %add3A_407 : vector<1536x384xf32>
    %slice3A_409 = vector.extract_strided_slice %add3A_408 {offsets = [0, 0], sizes = [1536, 96], strides = [1, 1]} : vector<1536x384xf32> to vector<1536x96xf32>
    %slice3A_410 = vector.extract_strided_slice %add3A_408 {offsets = [0, 96], sizes = [1536, 96], strides = [1, 1]} : vector<1536x384xf32> to vector<1536x96xf32>
    %slice3A_411 = vector.extract_strided_slice %add3A_408 {offsets = [0, 192], sizes = [1536, 96], strides = [1, 1]} : vector<1536x384xf32> to vector<1536x96xf32>
    %slice3A_412 = vector.extract_strided_slice %add3A_408 {offsets = [0, 288], sizes = [1536, 96], strides = [1, 1]} : vector<1536x384xf32> to vector<1536x96xf32>
    %logistic3A = arith.negf %slice3A_410 : vector<1536x96xf32>
    %logistic3A_413 = math.exp %logistic3A : vector<1536x96xf32>
    %logistic3A_414 = arith.constant 1.000000e+00 : f32
    %logistic3A_415 = vector.broadcast %logistic3A_414 : f32 to vector<1536x96xf32>
    %logistic3A_416 = arith.addf %logistic3A_415, %logistic3A_413 : vector<1536x96xf32>
    %logistic3A_417 = arith.divf %logistic3A_415, %logistic3A_416 : vector<1536x96xf32>
    %mul3A = arith.mulf %logistic3A_417, %get3A_41 : vector<1536x96xf32>
    %logistic3A_418 = arith.negf %slice3A_409 : vector<1536x96xf32>
    %logistic3A_419 = math.exp %logistic3A_418 : vector<1536x96xf32>
    %logistic3A_420 = arith.constant 1.000000e+00 : f32
    %logistic3A_421 = vector.broadcast %logistic3A_420 : f32 to vector<1536x96xf32>
    %logistic3A_422 = arith.addf %logistic3A_421, %logistic3A_419 : vector<1536x96xf32>
    %logistic3A_423 = arith.divf %logistic3A_421, %logistic3A_422 : vector<1536x96xf32>
    %tanh3A = math.tanh %slice3A_411 : vector<1536x96xf32>
    %mul3A_424 = arith.mulf %logistic3A_423, %tanh3A : vector<1536x96xf32>
    %add3A_425 = arith.addf %mul3A, %mul3A_424 : vector<1536x96xf32>
    %logistic3A_426 = arith.negf %slice3A_412 : vector<1536x96xf32>
    %logistic3A_427 = math.exp %logistic3A_426 : vector<1536x96xf32>
    %logistic3A_428 = arith.constant 1.000000e+00 : f32
    %logistic3A_429 = vector.broadcast %logistic3A_428 : f32 to vector<1536x96xf32>
    %logistic3A_430 = arith.addf %logistic3A_429, %logistic3A_427 : vector<1536x96xf32>
    %logistic3A_431 = arith.divf %logistic3A_429, %logistic3A_430 : vector<1536x96xf32>
    %tanh3A_432 = math.tanh %add3A_425 : vector<1536x96xf32>
    %mul3A_433 = arith.mulf %logistic3A_431, %tanh3A_432 : vector<1536x96xf32>
    %get3A_434 = arith.constant 0 : index
    %get3A_435 = arith.constant 0 : index
    %get3A_436 = vector.load %arg28[%get3A_434, %get3A_435] : memref<96x96xf32, #tpu.memory_space<vmem>>, vector<96x96xf32>
    %dot_general3A_437 = arith.constant dense<0.000000e+00> : vector<1536x96xf32>
    %dot_general3A_438 = tpu.matmul %mul3A_433, %get3A_436, %dot_general3A_437 {dimension_numbers = #tpu.dot_dimension_numbers<[1], [0], [0], [1], [0, 0, 1, 1], [], []>, transpose_lhs_hint = false} : vector<1536x96xf32>, vector<96x96xf32>, vector<1536x96xf32> -> vector<1536x96xf32>
    %get3A_439 = arith.constant 0 : index
    %get3A_440 = arith.constant 0 : index
    %get3A_441 = vector.load %arg29[%get3A_439, %get3A_440] : memref<1x96xf32, #tpu.memory_space<vmem>>, vector<1x96xf32>
    %add3A_442 = vector.broadcast %get3A_441 : vector<1x96xf32> to vector<1536x96xf32>
    %add3A_443 = arith.addf %dot_general3A_438, %add3A_442 : vector<1536x96xf32>
    %max3A_444 = arith.constant 0.000000e+00 : f32
    %max3A_445 = vector.broadcast %max3A_444 : f32 to vector<1536x96xf32>
    %max3A_446 = arith.maximumf %add3A_443, %max3A_445 : vector<1536x96xf32>
    %get3A_447 = arith.constant 0 : index
    %get3A_448 = arith.constant 0 : index
    %get3A_449 = vector.load %arg30[%get3A_447, %get3A_448] : memref<96x96xf32, #tpu.memory_space<vmem>>, vector<96x96xf32>
    %dot_general3A_450 = arith.constant dense<0.000000e+00> : vector<1536x96xf32>
    %dot_general3A_451 = tpu.matmul %max3A_446, %get3A_449, %dot_general3A_450 {dimension_numbers = #tpu.dot_dimension_numbers<[1], [0], [0], [1], [0, 0, 1, 1], [], []>, transpose_lhs_hint = false} : vector<1536x96xf32>, vector<96x96xf32>, vector<1536x96xf32> -> vector<1536x96xf32>
    %get3A_452 = arith.constant 0 : index
    %get3A_453 = arith.constant 0 : index
    %get3A_454 = vector.load %arg31[%get3A_452, %get3A_453] : memref<1x96xf32, #tpu.memory_space<vmem>>, vector<1x96xf32>
    %add3A_455 = vector.broadcast %get3A_454 : vector<1x96xf32> to vector<1536x96xf32>
    %add3A_456 = arith.addf %dot_general3A_451, %add3A_455 : vector<1536x96xf32>
    %max3A_457 = arith.constant 0.000000e+00 : f32
    %max3A_458 = vector.broadcast %max3A_457 : f32 to vector<1536x96xf32>
    %max3A_459 = arith.maximumf %add3A_456, %max3A_458 : vector<1536x96xf32>
    %get3A_460 = arith.constant 0 : index
    %get3A_461 = arith.constant 0 : index
    %get3A_462 = vector.load %arg32[%get3A_460, %get3A_461] : memref<96x9xf32, #tpu.memory_space<vmem>>, vector<96x9xf32>
    %dot_general3A_463 = arith.constant dense<0.000000e+00> : vector<1536x9xf32>
    %dot_general3A_464 = tpu.matmul %max3A_459, %get3A_462, %dot_general3A_463 {dimension_numbers = #tpu.dot_dimension_numbers<[1], [0], [0], [1], [0, 0, 1, 1], [], []>, transpose_lhs_hint = false} : vector<1536x96xf32>, vector<96x9xf32>, vector<1536x9xf32> -> vector<1536x9xf32>
    %get3A_465 = arith.constant 0 : index
    %get3A_466 = arith.constant 0 : index
    %get3A_467 = vector.load %arg33[%get3A_465, %get3A_466] : memref<1x9xf32, #tpu.memory_space<vmem>>, vector<1x9xf32>
    %add3A_468 = vector.broadcast %get3A_467 : vector<1x9xf32> to vector<1536x9xf32>
    %add3A_469 = arith.addf %dot_general3A_464, %add3A_468 : vector<1536x9xf32>
    %slice3A_470 = vector.extract_strided_slice %add3A_469 {offsets = [0, 0], sizes = [81, 9], strides = [1, 1]} : vector<1536x9xf32> to vector<81x9xf32>
    %swap3A = arith.constant 0 : index
    %swap3A_471 = arith.constant 0 : index
    %swap3A_472 = arith.constant 0 : index
    %swap3A_473 = arith.constant 0 : index
    %swap3A_474 = vector.load %arg34[%swap3A, %swap3A_471, %swap3A_472, %swap3A_473] : memref<2x16x81x9xf32, #tpu.memory_space<vmem>>, vector<1x1x81x9xf32>
    %swap3A_475 = vector.shape_cast %swap3A_474 : vector<1x1x81x9xf32> to vector<81x9xf32>
    %swap3A_476 = vector.shape_cast %slice3A_470 : vector<81x9xf32> to vector<1x1x81x9xf32>
    tpu.vector_store %arg34[%swap3A, %swap3A_471, %swap3A_472, %swap3A_473], %swap3A_476 {strides = array<i32>} : memref<2x16x81x9xf32, #tpu.memory_space<vmem>>, vector<1x1x81x9xf32>,
    %slice3A_477 = vector.extract_strided_slice %add3A_469 {offsets = [96, 0], sizes = [81, 9], strides = [1, 1]} : vector<1536x9xf32> to vector<81x9xf32>
    %swap3A_478 = arith.constant 0 : index
    %swap3A_479 = arith.constant 1 : index
    %swap3A_480 = arith.constant 0 : index
    %swap3A_481 = arith.constant 0 : index
    %swap3A_482 = vector.load %arg34[%swap3A_478, %swap3A_479, %swap3A_480, %swap3A_481] : memref<2x16x81x9xf32, #tpu.memory_space<vmem>>, vector<1x1x81x9xf32>
    %swap3A_483 = vector.shape_cast %swap3A_482 : vector<1x1x81x9xf32> to vector<81x9xf32>
    %swap3A_484 = vector.shape_cast %slice3A_477 : vector<81x9xf32> to vector<1x1x81x9xf32>
    tpu.vector_store %arg34[%swap3A_478, %swap3A_479, %swap3A_480, %swap3A_481], %swap3A_484 {strides = array<i32>} : memref<2x16x81x9xf32, #tpu.memory_space<vmem>>, vector<1x1x81x9xf32>,
    %slice3A_485 = vector.extract_strided_slice %add3A_469 {offsets = [192, 0], sizes = [81, 9], strides = [1, 1]} : vector<1536x9xf32> to vector<81x9xf32>
    %swap3A_486 = arith.constant 0 : index
    %swap3A_487 = arith.constant 2 : index
    %swap3A_488 = arith.constant 0 : index
    %swap3A_489 = arith.constant 0 : index
    %swap3A_490 = vector.load %arg34[%swap3A_486, %swap3A_487, %swap3A_488, %swap3A_489] : memref<2x16x81x9xf32, #tpu.memory_space<vmem>>, vector<1x1x81x9xf32>
    %swap3A_491 = vector.shape_cast %swap3A_490 : vector<1x1x81x9xf32> to vector<81x9xf32>
    %swap3A_492 = vector.shape_cast %slice3A_485 : vector<81x9xf32> to vector<1x1x81x9xf32>
    tpu.vector_store %arg34[%swap3A_486, %swap3A_487, %swap3A_488, %swap3A_489], %swap3A_492 {strides = array<i32>} : memref<2x16x81x9xf32, #tpu.memory_space<vmem>>, vector<1x1x81x9xf32>,
    %slice3A_493 = vector.extract_strided_slice %add3A_469 {offsets = [288, 0], sizes = [81, 9], strides = [1, 1]} : vector<1536x9xf32> to vector<81x9xf32>
    %swap3A_494 = arith.constant 0 : index
    %swap3A_495 = arith.constant 3 : index
    %swap3A_496 = arith.constant 0 : index
    %swap3A_497 = arith.constant 0 : index
    %swap3A_498 = vector.load %arg34[%swap3A_494, %swap3A_495, %swap3A_496, %swap3A_497] : memref<2x16x81x9xf32, #tpu.memory_space<vmem>>, vector<1x1x81x9xf32>
    %swap3A_499 = vector.shape_cast %swap3A_498 : vector<1x1x81x9xf32> to vector<81x9xf32>
    %swap3A_500 = vector.shape_cast %slice3A_493 : vector<81x9xf32> to vector<1x1x81x9xf32>
    tpu.vector_store %arg34[%swap3A_494, %swap3A_495, %swap3A_496, %swap3A_497], %swap3A_500 {strides = array<i32>} : memref<2x16x81x9xf32, #tpu.memory_space<vmem>>, vector<1x1x81x9xf32>,
    %slice3A_501 = vector.extract_strided_slice %add3A_469 {offsets = [384, 0], sizes = [81, 9], strides = [1, 1]} : vector<1536x9xf32> to vector<81x9xf32>
    %swap3A_502 = arith.constant 0 : index
    %swap3A_503 = arith.constant 4 : index
    %swap3A_504 = arith.constant 0 : index
    %swap3A_505 = arith.constant 0 : index
    %swap3A_506 = vector.load %arg34[%swap3A_502, %swap3A_503, %swap3A_504, %swap3A_505] : memref<2x16x81x9xf32, #tpu.memory_space<vmem>>, vector<1x1x81x9xf32>
    %swap3A_507 = vector.shape_cast %swap3A_506 : vector<1x1x81x9xf32> to vector<81x9xf32>
    %swap3A_508 = vector.shape_cast %slice3A_501 : vector<81x9xf32> to vector<1x1x81x9xf32>
    tpu.vector_store %arg34[%swap3A_502, %swap3A_503, %swap3A_504, %swap3A_505], %swap3A_508 {strides = array<i32>} : memref<2x16x81x9xf32, #tpu.memory_space<vmem>>, vector<1x1x81x9xf32>,
    %slice3A_509 = vector.extract_strided_slice %add3A_469 {offsets = [480, 0], sizes = [81, 9], strides = [1, 1]} : vector<1536x9xf32> to vector<81x9xf32>
    %swap3A_510 = arith.constant 0 : index
    %swap3A_511 = arith.constant 5 : index
    %swap3A_512 = arith.constant 0 : index
    %swap3A_513 = arith.constant 0 : index
    %swap3A_514 = vector.load %arg34[%swap3A_510, %swap3A_511, %swap3A_512, %swap3A_513] : memref<2x16x81x9xf32, #tpu.memory_space<vmem>>, vector<1x1x81x9xf32>
    %swap3A_515 = vector.shape_cast %swap3A_514 : vector<1x1x81x9xf32> to vector<81x9xf32>
    %swap3A_516 = vector.shape_cast %slice3A_509 : vector<81x9xf32> to vector<1x1x81x9xf32>
    tpu.vector_store %arg34[%swap3A_510, %swap3A_511, %swap3A_512, %swap3A_513], %swap3A_516 {strides = array<i32>} : memref<2x16x81x9xf32, #tpu.memory_space<vmem>>, vector<1x1x81x9xf32>,
    %slice3A_517 = vector.extract_strided_slice %add3A_469 {offsets = [576, 0], sizes = [81, 9], strides = [1, 1]} : vector<1536x9xf32> to vector<81x9xf32>
    %swap3A_518 = arith.constant 0 : index
    %swap3A_519 = arith.constant 6 : index
    %swap3A_520 = arith.constant 0 : index
    %swap3A_521 = arith.constant 0 : index
    %swap3A_522 = vector.load %arg34[%swap3A_518, %swap3A_519, %swap3A_520, %swap3A_521] : memref<2x16x81x9xf32, #tpu.memory_space<vmem>>, vector<1x1x81x9xf32>
    %swap3A_523 = vector.shape_cast %swap3A_522 : vector<1x1x81x9xf32> to vector<81x9xf32>
    %swap3A_524 = vector.shape_cast %slice3A_517 : vector<81x9xf32> to vector<1x1x81x9xf32>
    tpu.vector_store %arg34[%swap3A_518, %swap3A_519, %swap3A_520, %swap3A_521], %swap3A_524 {strides = array<i32>} : memref<2x16x81x9xf32, #tpu.memory_space<vmem>>, vector<1x1x81x9xf32>,
    %slice3A_525 = vector.extract_strided_slice %add3A_469 {offsets = [672, 0], sizes = [81, 9], strides = [1, 1]} : vector<1536x9xf32> to vector<81x9xf32>
    %swap3A_526 = arith.constant 0 : index
    %swap3A_527 = arith.constant 7 : index
    %swap3A_528 = arith.constant 0 : index
    %swap3A_529 = arith.constant 0 : index
    %swap3A_530 = vector.load %arg34[%swap3A_526, %swap3A_527, %swap3A_528, %swap3A_529] : memref<2x16x81x9xf32, #tpu.memory_space<vmem>>, vector<1x1x81x9xf32>
    %swap3A_531 = vector.shape_cast %swap3A_530 : vector<1x1x81x9xf32> to vector<81x9xf32>
    %swap3A_532 = vector.shape_cast %slice3A_525 : vector<81x9xf32> to vector<1x1x81x9xf32>
    tpu.vector_store %arg34[%swap3A_526, %swap3A_527, %swap3A_528, %swap3A_529], %swap3A_532 {strides = array<i32>} : memref<2x16x81x9xf32, #tpu.memory_space<vmem>>, vector<1x1x81x9xf32>,
    %slice3A_533 = vector.extract_strided_slice %add3A_469 {offsets = [768, 0], sizes = [81, 9], strides = [1, 1]} : vector<1536x9xf32> to vector<81x9xf32>
    %swap3A_534 = arith.constant 0 : index
    %swap3A_535 = arith.constant 8 : index
    %swap3A_536 = arith.constant 0 : index
    %swap3A_537 = arith.constant 0 : index
    %swap3A_538 = vector.load %arg34[%swap3A_534, %swap3A_535, %swap3A_536, %swap3A_537] : memref<2x16x81x9xf32, #tpu.memory_space<vmem>>, vector<1x1x81x9xf32>
    %swap3A_539 = vector.shape_cast %swap3A_538 : vector<1x1x81x9xf32> to vector<81x9xf32>
    %swap3A_540 = vector.shape_cast %slice3A_533 : vector<81x9xf32> to vector<1x1x81x9xf32>
    tpu.vector_store %arg34[%swap3A_534, %swap3A_535, %swap3A_536, %swap3A_537], %swap3A_540 {strides = array<i32>} : memref<2x16x81x9xf32, #tpu.memory_space<vmem>>, vector<1x1x81x9xf32>,
    %slice3A_541 = vector.extract_strided_slice %add3A_469 {offsets = [864, 0], sizes = [81, 9], strides = [1, 1]} : vector<1536x9xf32> to vector<81x9xf32>
    %swap3A_542 = arith.constant 0 : index
    %swap3A_543 = arith.constant 9 : index
    %swap3A_544 = arith.constant 0 : index
    %swap3A_545 = arith.constant 0 : index
    %swap3A_546 = vector.load %arg34[%swap3A_542, %swap3A_543, %swap3A_544, %swap3A_545] : memref<2x16x81x9xf32, #tpu.memory_space<vmem>>, vector<1x1x81x9xf32>
    %swap3A_547 = vector.shape_cast %swap3A_546 : vector<1x1x81x9xf32> to vector<81x9xf32>
    %swap3A_548 = vector.shape_cast %slice3A_541 : vector<81x9xf32> to vector<1x1x81x9xf32>
    tpu.vector_store %arg34[%swap3A_542, %swap3A_543, %swap3A_544, %swap3A_545], %swap3A_548 {strides = array<i32>} : memref<2x16x81x9xf32, #tpu.memory_space<vmem>>, vector<1x1x81x9xf32>,
    %slice3A_549 = vector.extract_strided_slice %add3A_469 {offsets = [960, 0], sizes = [81, 9], strides = [1, 1]} : vector<1536x9xf32> to vector<81x9xf32>
    %swap3A_550 = arith.constant 0 : index
    %swap3A_551 = arith.constant 10 : index
    %swap3A_552 = arith.constant 0 : index
    %swap3A_553 = arith.constant 0 : index
    %swap3A_554 = vector.load %arg34[%swap3A_550, %swap3A_551, %swap3A_552, %swap3A_553] : memref<2x16x81x9xf32, #tpu.memory_space<vmem>>, vector<1x1x81x9xf32>
    %swap3A_555 = vector.shape_cast %swap3A_554 : vector<1x1x81x9xf32> to vector<81x9xf32>
    %swap3A_556 = vector.shape_cast %slice3A_549 : vector<81x9xf32> to vector<1x1x81x9xf32>
    tpu.vector_store %arg34[%swap3A_550, %swap3A_551, %swap3A_552, %swap3A_553], %swap3A_556 {strides = array<i32>} : memref<2x16x81x9xf32, #tpu.memory_space<vmem>>, vector<1x1x81x9xf32>,
    %slice3A_557 = vector.extract_strided_slice %add3A_469 {offsets = [1056, 0], sizes = [81, 9], strides = [1, 1]} : vector<1536x9xf32> to vector<81x9xf32>
    %swap3A_558 = arith.constant 0 : index
    %swap3A_559 = arith.constant 11 : index
    %swap3A_560 = arith.constant 0 : index
    %swap3A_561 = arith.constant 0 : index
    %swap3A_562 = vector.load %arg34[%swap3A_558, %swap3A_559, %swap3A_560, %swap3A_561] : memref<2x16x81x9xf32, #tpu.memory_space<vmem>>, vector<1x1x81x9xf32>
    %swap3A_563 = vector.shape_cast %swap3A_562 : vector<1x1x81x9xf32> to vector<81x9xf32>
    %swap3A_564 = vector.shape_cast %slice3A_557 : vector<81x9xf32> to vector<1x1x81x9xf32>
    tpu.vector_store %arg34[%swap3A_558, %swap3A_559, %swap3A_560, %swap3A_561], %swap3A_564 {strides = array<i32>} : memref<2x16x81x9xf32, #tpu.memory_space<vmem>>, vector<1x1x81x9xf32>,
    %slice3A_565 = vector.extract_strided_slice %add3A_469 {offsets = [1152, 0], sizes = [81, 9], strides = [1, 1]} : vector<1536x9xf32> to vector<81x9xf32>
    %swap3A_566 = arith.constant 0 : index
    %swap3A_567 = arith.constant 12 : index
    %swap3A_568 = arith.constant 0 : index
    %swap3A_569 = arith.constant 0 : index
    %swap3A_570 = vector.load %arg34[%swap3A_566, %swap3A_567, %swap3A_568, %swap3A_569] : memref<2x16x81x9xf32, #tpu.memory_space<vmem>>, vector<1x1x81x9xf32>
    %swap3A_571 = vector.shape_cast %swap3A_570 : vector<1x1x81x9xf32> to vector<81x9xf32>
    %swap3A_572 = vector.shape_cast %slice3A_565 : vector<81x9xf32> to vector<1x1x81x9xf32>
    tpu.vector_store %arg34[%swap3A_566, %swap3A_567, %swap3A_568, %swap3A_569], %swap3A_572 {strides = array<i32>} : memref<2x16x81x9xf32, #tpu.memory_space<vmem>>, vector<1x1x81x9xf32>,
    %slice3A_573 = vector.extract_strided_slice %add3A_469 {offsets = [1248, 0], sizes = [81, 9], strides = [1, 1]} : vector<1536x9xf32> to vector<81x9xf32>
    %swap3A_574 = arith.constant 0 : index
    %swap3A_575 = arith.constant 13 : index
    %swap3A_576 = arith.constant 0 : index
    %swap3A_577 = arith.constant 0 : index
    %swap3A_578 = vector.load %arg34[%swap3A_574, %swap3A_575, %swap3A_576, %swap3A_577] : memref<2x16x81x9xf32, #tpu.memory_space<vmem>>, vector<1x1x81x9xf32>
    %swap3A_579 = vector.shape_cast %swap3A_578 : vector<1x1x81x9xf32> to vector<81x9xf32>
    %swap3A_580 = vector.shape_cast %slice3A_573 : vector<81x9xf32> to vector<1x1x81x9xf32>
    tpu.vector_store %arg34[%swap3A_574, %swap3A_575, %swap3A_576, %swap3A_577], %swap3A_580 {strides = array<i32>} : memref<2x16x81x9xf32, #tpu.memory_space<vmem>>, vector<1x1x81x9xf32>,
    %slice3A_581 = vector.extract_strided_slice %add3A_469 {offsets = [1344, 0], sizes = [81, 9], strides = [1, 1]} : vector<1536x9xf32> to vector<81x9xf32>
    %swap3A_582 = arith.constant 0 : index
    %swap3A_583 = arith.constant 14 : index
    %swap3A_584 = arith.constant 0 : index
    %swap3A_585 = arith.constant 0 : index
    %swap3A_586 = vector.load %arg34[%swap3A_582, %swap3A_583, %swap3A_584, %swap3A_585] : memref<2x16x81x9xf32, #tpu.memory_space<vmem>>, vector<1x1x81x9xf32>
    %swap3A_587 = vector.shape_cast %swap3A_586 : vector<1x1x81x9xf32> to vector<81x9xf32>
    %swap3A_588 = vector.shape_cast %slice3A_581 : vector<81x9xf32> to vector<1x1x81x9xf32>
    tpu.vector_store %arg34[%swap3A_582, %swap3A_583, %swap3A_584, %swap3A_585], %swap3A_588 {strides = array<i32>} : memref<2x16x81x9xf32, #tpu.memory_space<vmem>>, vector<1x1x81x9xf32>,
    %slice3A_589 = vector.extract_strided_slice %add3A_469 {offsets = [1440, 0], sizes = [81, 9], strides = [1, 1]} : vector<1536x9xf32> to vector<81x9xf32>
    %swap3A_590 = arith.constant 0 : index
    %swap3A_591 = arith.constant 15 : index
    %swap3A_592 = arith.constant 0 : index
    %swap3A_593 = arith.constant 0 : index
    %swap3A_594 = vector.load %arg34[%swap3A_590, %swap3A_591, %swap3A_592, %swap3A_593] : memref<2x16x81x9xf32, #tpu.memory_space<vmem>>, vector<1x1x81x9xf32>
    %swap3A_595 = vector.shape_cast %swap3A_594 : vector<1x1x81x9xf32> to vector<81x9xf32>
    %swap3A_596 = vector.shape_cast %slice3A_589 : vector<81x9xf32> to vector<1x1x81x9xf32>
    tpu.vector_store %arg34[%swap3A_590, %swap3A_591, %swap3A_592, %swap3A_593], %swap3A_596 {strides = array<i32>} : memref<2x16x81x9xf32, #tpu.memory_space<vmem>>, vector<1x1x81x9xf32>,
    %get3A_597 = arith.constant 0 : index
    %get3A_598 = arith.constant 0 : index
    %get3A_599 = vector.load %arg11[%get3A_597, %get3A_598] : memref<96x96xf32, #tpu.memory_space<vmem>>, vector<96x96xf32>
    %dot_general3A_600 = arith.constant dense<0.000000e+00> : vector<1536x96xf32>
    %dot_general3A_601 = tpu.matmul %mul3A_433, %get3A_599, %dot_general3A_600 {dimension_numbers = #tpu.dot_dimension_numbers<[1], [0], [0], [1], [0, 0, 1, 1], [], []>, transpose_lhs_hint = false} : vector<1536x96xf32>, vector<96x96xf32>, vector<1536x96xf32> -> vector<1536x96xf32>
    %convert_element_type3A_602 = arith.truncf %dot_general3A_601 : vector<1536x96xf32> to vector<1536x96xbf16>
    %get3A_603 = arith.constant 0 : index
    %get3A_604 = arith.constant 0 : index
    %get3A_605 = vector.load %arg12[%get3A_603, %get3A_604] : memref<96x96xf32, #tpu.memory_space<vmem>>, vector<96x96xf32>
    %dot_general3A_606 = arith.constant dense<0.000000e+00> : vector<1536x96xf32>
    %dot_general3A_607 = tpu.matmul %mul3A_433, %get3A_605, %dot_general3A_606 {dimension_numbers = #tpu.dot_dimension_numbers<[1], [0], [0], [1], [0, 0, 1, 1], [], []>, transpose_lhs_hint = false} : vector<1536x96xf32>, vector<96x96xf32>, vector<1536x96xf32> -> vector<1536x96xf32>
    %convert_element_type3A_608 = arith.truncf %dot_general3A_607 : vector<1536x96xf32> to vector<1536x96xbf16>
    %slice3A_609 = vector.extract_strided_slice %convert_element_type3A_602 {offsets = [0, 0], sizes = [96, 96], strides = [1, 1]} : vector<1536x96xbf16> to vector<96x96xbf16>
    %slice3A_610 = vector.extract_strided_slice %convert_element_type3A_608 {offsets = [0, 0], sizes = [96, 96], strides = [1, 1]} : vector<1536x96xbf16> to vector<96x96xbf16>
    %get3A_611 = arith.constant 0 : index
    %get3A_612 = arith.constant 0 : index
    %get3A_613 = vector.load %arg13[%get3A_611, %get3A_612] : memref<8x96xbf16, #tpu.memory_space<vmem>>, vector<8x96xbf16>
    %concatenate3A_614 = tpu.concatenate %slice3A_609, %slice3A_610, %get3A_613 in 0 : vector<96x96xbf16>, vector<96x96xbf16>, vector<8x96xbf16> -> vector<200x96xbf16>
    %get3A_615 = arith.constant 0 : index
    %get3A_616 = arith.constant 0 : index
    %get3A_617 = vector.load %arg9[%get3A_615, %get3A_616] : memref<1664x200xbf16, #tpu.memory_space<vmem>>, vector<1664x200xbf16>
    %dot_general3A_618 = arith.constant dense<0.000000e+00> : vector<1664x96xf32>
    %dot_general3A_619 = tpu.matmul %get3A_617, %concatenate3A_614, %dot_general3A_618 {dimension_numbers = #tpu.dot_dimension_numbers<[1], [0], [0], [1], [0, 0, 1, 1], [], []>, transpose_lhs_hint = false} : vector<1664x200xbf16>, vector<200x96xbf16>, vector<1664x96xf32> -> vector<1664x96xf32>
    %slice3A_620 = vector.extract_strided_slice %convert_element_type3A_602 {offsets = [96, 0], sizes = [96, 96], strides = [1, 1]} : vector<1536x96xbf16> to vector<96x96xbf16>
    %slice3A_621 = vector.extract_strided_slice %convert_element_type3A_608 {offsets = [96, 0], sizes = [96, 96], strides = [1, 1]} : vector<1536x96xbf16> to vector<96x96xbf16>
    %get3A_622 = arith.constant 0 : index
    %get3A_623 = arith.constant 0 : index
    %get3A_624 = vector.load %arg13[%get3A_622, %get3A_623] : memref<8x96xbf16, #tpu.memory_space<vmem>>, vector<8x96xbf16>
    %concatenate3A_625 = tpu.concatenate %slice3A_620, %slice3A_621, %get3A_624 in 0 : vector<96x96xbf16>, vector<96x96xbf16>, vector<8x96xbf16> -> vector<200x96xbf16>
    %get3A_626 = arith.constant 0 : index
    %get3A_627 = arith.constant 0 : index
    %get3A_628 = vector.load %arg9[%get3A_626, %get3A_627] : memref<1664x200xbf16, #tpu.memory_space<vmem>>, vector<1664x200xbf16>
    %dot_general3A_629 = arith.constant dense<0.000000e+00> : vector<1664x96xf32>
    %dot_general3A_630 = tpu.matmul %get3A_628, %concatenate3A_625, %dot_general3A_629 {dimension_numbers = #tpu.dot_dimension_numbers<[1], [0], [0], [1], [0, 0, 1, 1], [], []>, transpose_lhs_hint = false} : vector<1664x200xbf16>, vector<200x96xbf16>, vector<1664x96xf32> -> vector<1664x96xf32>
    %slice3A_631 = vector.extract_strided_slice %convert_element_type3A_602 {offsets = [192, 0], sizes = [96, 96], strides = [1, 1]} : vector<1536x96xbf16> to vector<96x96xbf16>
    %slice3A_632 = vector.extract_strided_slice %convert_element_type3A_608 {offsets = [192, 0], sizes = [96, 96], strides = [1, 1]} : vector<1536x96xbf16> to vector<96x96xbf16>
    %get3A_633 = arith.constant 0 : index
    %get3A_634 = arith.constant 0 : index
    %get3A_635 = vector.load %arg13[%get3A_633, %get3A_634] : memref<8x96xbf16, #tpu.memory_space<vmem>>, vector<8x96xbf16>
    %concatenate3A_636 = tpu.concatenate %slice3A_631, %slice3A_632, %get3A_635 in 0 : vector<96x96xbf16>, vector<96x96xbf16>, vector<8x96xbf16> -> vector<200x96xbf16>
    %get3A_637 = arith.constant 0 : index
    %get3A_638 = arith.constant 0 : index
    %get3A_639 = vector.load %arg9[%get3A_637, %get3A_638] : memref<1664x200xbf16, #tpu.memory_space<vmem>>, vector<1664x200xbf16>
    %dot_general3A_640 = arith.constant dense<0.000000e+00> : vector<1664x96xf32>
    %dot_general3A_641 = tpu.matmul %get3A_639, %concatenate3A_636, %dot_general3A_640 {dimension_numbers = #tpu.dot_dimension_numbers<[1], [0], [0], [1], [0, 0, 1, 1], [], []>, transpose_lhs_hint = false} : vector<1664x200xbf16>, vector<200x96xbf16>, vector<1664x96xf32> -> vector<1664x96xf32>
    %slice3A_642 = vector.extract_strided_slice %convert_element_type3A_602 {offsets = [288, 0], sizes = [96, 96], strides = [1, 1]} : vector<1536x96xbf16> to vector<96x96xbf16>
    %slice3A_643 = vector.extract_strided_slice %convert_element_type3A_608 {offsets = [288, 0], sizes = [96, 96], strides = [1, 1]} : vector<1536x96xbf16> to vector<96x96xbf16>
    %get3A_644 = arith.constant 0 : index
    %get3A_645 = arith.constant 0 : index
    %get3A_646 = vector.load %arg13[%get3A_644, %get3A_645] : memref<8x96xbf16, #tpu.memory_space<vmem>>, vector<8x96xbf16>
    %concatenate3A_647 = tpu.concatenate %slice3A_642, %slice3A_643, %get3A_646 in 0 : vector<96x96xbf16>, vector<96x96xbf16>, vector<8x96xbf16> -> vector<200x96xbf16>
    %get3A_648 = arith.constant 0 : index
    %get3A_649 = arith.constant 0 : index
    %get3A_650 = vector.load %arg9[%get3A_648, %get3A_649] : memref<1664x200xbf16, #tpu.memory_space<vmem>>, vector<1664x200xbf16>
    %dot_general3A_651 = arith.constant dense<0.000000e+00> : vector<1664x96xf32>
    %dot_general3A_652 = tpu.matmul %get3A_650, %concatenate3A_647, %dot_general3A_651 {dimension_numbers = #tpu.dot_dimension_numbers<[1], [0], [0], [1], [0, 0, 1, 1], [], []>, transpose_lhs_hint = false} : vector<1664x200xbf16>, vector<200x96xbf16>, vector<1664x96xf32> -> vector<1664x96xf32>
    %slice3A_653 = vector.extract_strided_slice %convert_element_type3A_602 {offsets = [384, 0], sizes = [96, 96], strides = [1, 1]} : vector<1536x96xbf16> to vector<96x96xbf16>
    %slice3A_654 = vector.extract_strided_slice %convert_element_type3A_608 {offsets = [384, 0], sizes = [96, 96], strides = [1, 1]} : vector<1536x96xbf16> to vector<96x96xbf16>
    %get3A_655 = arith.constant 0 : index
    %get3A_656 = arith.constant 0 : index
    %get3A_657 = vector.load %arg13[%get3A_655, %get3A_656] : memref<8x96xbf16, #tpu.memory_space<vmem>>, vector<8x96xbf16>
    %concatenate3A_658 = tpu.concatenate %slice3A_653, %slice3A_654, %get3A_657 in 0 : vector<96x96xbf16>, vector<96x96xbf16>, vector<8x96xbf16> -> vector<200x96xbf16>
    %get3A_659 = arith.constant 0 : index
    %get3A_660 = arith.constant 0 : index
    %get3A_661 = vector.load %arg9[%get3A_659, %get3A_660] : memref<1664x200xbf16, #tpu.memory_space<vmem>>, vector<1664x200xbf16>
    %dot_general3A_662 = arith.constant dense<0.000000e+00> : vector<1664x96xf32>
    %dot_general3A_663 = tpu.matmul %get3A_661, %concatenate3A_658, %dot_general3A_662 {dimension_numbers = #tpu.dot_dimension_numbers<[1], [0], [0], [1], [0, 0, 1, 1], [], []>, transpose_lhs_hint = false} : vector<1664x200xbf16>, vector<200x96xbf16>, vector<1664x96xf32> -> vector<1664x96xf32>
    %slice3A_664 = vector.extract_strided_slice %convert_element_type3A_602 {offsets = [480, 0], sizes = [96, 96], strides = [1, 1]} : vector<1536x96xbf16> to vector<96x96xbf16>
    %slice3A_665 = vector.extract_strided_slice %convert_element_type3A_608 {offsets = [480, 0], sizes = [96, 96], strides = [1, 1]} : vector<1536x96xbf16> to vector<96x96xbf16>
    %get3A_666 = arith.constant 0 : index
    %get3A_667 = arith.constant 0 : index
    %get3A_668 = vector.load %arg13[%get3A_666, %get3A_667] : memref<8x96xbf16, #tpu.memory_space<vmem>>, vector<8x96xbf16>
    %concatenate3A_669 = tpu.concatenate %slice3A_664, %slice3A_665, %get3A_668 in 0 : vector<96x96xbf16>, vector<96x96xbf16>, vector<8x96xbf16> -> vector<200x96xbf16>
    %get3A_670 = arith.constant 0 : index
    %get3A_671 = arith.constant 0 : index
    %get3A_672 = vector.load %arg9[%get3A_670, %get3A_671] : memref<1664x200xbf16, #tpu.memory_space<vmem>>, vector<1664x200xbf16>
    %dot_general3A_673 = arith.constant dense<0.000000e+00> : vector<1664x96xf32>
    %dot_general3A_674 = tpu.matmul %get3A_672, %concatenate3A_669, %dot_general3A_673 {dimension_numbers = #tpu.dot_dimension_numbers<[1], [0], [0], [1], [0, 0, 1, 1], [], []>, transpose_lhs_hint = false} : vector<1664x200xbf16>, vector<200x96xbf16>, vector<1664x96xf32> -> vector<1664x96xf32>
    %slice3A_675 = vector.extract_strided_slice %convert_element_type3A_602 {offsets = [576, 0], sizes = [96, 96], strides = [1, 1]} : vector<1536x96xbf16> to vector<96x96xbf16>
    %slice3A_676 = vector.extract_strided_slice %convert_element_type3A_608 {offsets = [576, 0], sizes = [96, 96], strides = [1, 1]} : vector<1536x96xbf16> to vector<96x96xbf16>
    %get3A_677 = arith.constant 0 : index
    %get3A_678 = arith.constant 0 : index
    %get3A_679 = vector.load %arg13[%get3A_677, %get3A_678] : memref<8x96xbf16, #tpu.memory_space<vmem>>, vector<8x96xbf16>
    %concatenate3A_680 = tpu.concatenate %slice3A_675, %slice3A_676, %get3A_679 in 0 : vector<96x96xbf16>, vector<96x96xbf16>, vector<8x96xbf16> -> vector<200x96xbf16>
    %get3A_681 = arith.constant 0 : index
    %get3A_682 = arith.constant 0 : index
    %get3A_683 = vector.load %arg9[%get3A_681, %get3A_682] : memref<1664x200xbf16, #tpu.memory_space<vmem>>, vector<1664x200xbf16>
    %dot_general3A_684 = arith.constant dense<0.000000e+00> : vector<1664x96xf32>
    %dot_general3A_685 = tpu.matmul %get3A_683, %concatenate3A_680, %dot_general3A_684 {dimension_numbers = #tpu.dot_dimension_numbers<[1], [0], [0], [1], [0, 0, 1, 1], [], []>, transpose_lhs_hint = false} : vector<1664x200xbf16>, vector<200x96xbf16>, vector<1664x96xf32> -> vector<1664x96xf32>
    %slice3A_686 = vector.extract_strided_slice %convert_element_type3A_602 {offsets = [672, 0], sizes = [96, 96], strides = [1, 1]} : vector<1536x96xbf16> to vector<96x96xbf16>
    %slice3A_687 = vector.extract_strided_slice %convert_element_type3A_608 {offsets = [672, 0], sizes = [96, 96], strides = [1, 1]} : vector<1536x96xbf16> to vector<96x96xbf16>
    %get3A_688 = arith.constant 0 : index
    %get3A_689 = arith.constant 0 : index
    %get3A_690 = vector.load %arg13[%get3A_688, %get3A_689] : memref<8x96xbf16, #tpu.memory_space<vmem>>, vector<8x96xbf16>
    %concatenate3A_691 = tpu.concatenate %slice3A_686, %slice3A_687, %get3A_690 in 0 : vector<96x96xbf16>, vector<96x96xbf16>, vector<8x96xbf16> -> vector<200x96xbf16>
    %get3A_692 = arith.constant 0 : index
    %get3A_693 = arith.constant 0 : index
    %get3A_694 = vector.load %arg9[%get3A_692, %get3A_693] : memref<1664x200xbf16, #tpu.memory_space<vmem>>, vector<1664x200xbf16>
    %dot_general3A_695 = arith.constant dense<0.000000e+00> : vector<1664x96xf32>
    %dot_general3A_696 = tpu.matmul %get3A_694, %concatenate3A_691, %dot_general3A_695 {dimension_numbers = #tpu.dot_dimension_numbers<[1], [0], [0], [1], [0, 0, 1, 1], [], []>, transpose_lhs_hint = false} : vector<1664x200xbf16>, vector<200x96xbf16>, vector<1664x96xf32> -> vector<1664x96xf32>
    %slice3A_697 = vector.extract_strided_slice %convert_element_type3A_602 {offsets = [768, 0], sizes = [96, 96], strides = [1, 1]} : vector<1536x96xbf16> to vector<96x96xbf16>
    %slice3A_698 = vector.extract_strided_slice %convert_element_type3A_608 {offsets = [768, 0], sizes = [96, 96], strides = [1, 1]} : vector<1536x96xbf16> to vector<96x96xbf16>
    %get3A_699 = arith.constant 0 : index
    %get3A_700 = arith.constant 0 : index
    %get3A_701 = vector.load %arg13[%get3A_699, %get3A_700] : memref<8x96xbf16, #tpu.memory_space<vmem>>, vector<8x96xbf16>
    %concatenate3A_702 = tpu.concatenate %slice3A_697, %slice3A_698, %get3A_701 in 0 : vector<96x96xbf16>, vector<96x96xbf16>, vector<8x96xbf16> -> vector<200x96xbf16>
    %get3A_703 = arith.constant 0 : index
    %get3A_704 = arith.constant 0 : index
    %get3A_705 = vector.load %arg9[%get3A_703, %get3A_704] : memref<1664x200xbf16, #tpu.memory_space<vmem>>, vector<1664x200xbf16>
    %dot_general3A_706 = arith.constant dense<0.000000e+00> : vector<1664x96xf32>
    %dot_general3A_707 = tpu.matmul %get3A_705, %concatenate3A_702, %dot_general3A_706 {dimension_numbers = #tpu.dot_dimension_numbers<[1], [0], [0], [1], [0, 0, 1, 1], [], []>, transpose_lhs_hint = false} : vector<1664x200xbf16>, vector<200x96xbf16>, vector<1664x96xf32> -> vector<1664x96xf32>
    %slice3A_708 = vector.extract_strided_slice %convert_element_type3A_602 {offsets = [864, 0], sizes = [96, 96], strides = [1, 1]} : vector<1536x96xbf16> to vector<96x96xbf16>
    %slice3A_709 = vector.extract_strided_slice %convert_element_type3A_608 {offsets = [864, 0], sizes = [96, 96], strides = [1, 1]} : vector<1536x96xbf16> to vector<96x96xbf16>
    %get3A_710 = arith.constant 0 : index
    %get3A_711 = arith.constant 0 : index
    %get3A_712 = vector.load %arg13[%get3A_710, %get3A_711] : memref<8x96xbf16, #tpu.memory_space<vmem>>, vector<8x96xbf16>
    %concatenate3A_713 = tpu.concatenate %slice3A_708, %slice3A_709, %get3A_712 in 0 : vector<96x96xbf16>, vector<96x96xbf16>, vector<8x96xbf16> -> vector<200x96xbf16>
    %get3A_714 = arith.constant 0 : index
    %get3A_715 = arith.constant 0 : index
    %get3A_716 = vector.load %arg9[%get3A_714, %get3A_715] : memref<1664x200xbf16, #tpu.memory_space<vmem>>, vector<1664x200xbf16>
    %dot_general3A_717 = arith.constant dense<0.000000e+00> : vector<1664x96xf32>
    %dot_general3A_718 = tpu.matmul %get3A_716, %concatenate3A_713, %dot_general3A_717 {dimension_numbers = #tpu.dot_dimension_numbers<[1], [0], [0], [1], [0, 0, 1, 1], [], []>, transpose_lhs_hint = false} : vector<1664x200xbf16>, vector<200x96xbf16>, vector<1664x96xf32> -> vector<1664x96xf32>
    %slice3A_719 = vector.extract_strided_slice %convert_element_type3A_602 {offsets = [960, 0], sizes = [96, 96], strides = [1, 1]} : vector<1536x96xbf16> to vector<96x96xbf16>
    %slice3A_720 = vector.extract_strided_slice %convert_element_type3A_608 {offsets = [960, 0], sizes = [96, 96], strides = [1, 1]} : vector<1536x96xbf16> to vector<96x96xbf16>
    %get3A_721 = arith.constant 0 : index
    %get3A_722 = arith.constant 0 : index
    %get3A_723 = vector.load %arg13[%get3A_721, %get3A_722] : memref<8x96xbf16, #tpu.memory_space<vmem>>, vector<8x96xbf16>
    %concatenate3A_724 = tpu.concatenate %slice3A_719, %slice3A_720, %get3A_723 in 0 : vector<96x96xbf16>, vector<96x96xbf16>, vector<8x96xbf16> -> vector<200x96xbf16>
    %get3A_725 = arith.constant 0 : index
    %get3A_726 = arith.constant 0 : index
    %get3A_727 = vector.load %arg9[%get3A_725, %get3A_726] : memref<1664x200xbf16, #tpu.memory_space<vmem>>, vector<1664x200xbf16>
    %dot_general3A_728 = arith.constant dense<0.000000e+00> : vector<1664x96xf32>
    %dot_general3A_729 = tpu.matmul %get3A_727, %concatenate3A_724, %dot_general3A_728 {dimension_numbers = #tpu.dot_dimension_numbers<[1], [0], [0], [1], [0, 0, 1, 1], [], []>, transpose_lhs_hint = false} : vector<1664x200xbf16>, vector<200x96xbf16>, vector<1664x96xf32> -> vector<1664x96xf32>
    %slice3A_730 = vector.extract_strided_slice %convert_element_type3A_602 {offsets = [1056, 0], sizes = [96, 96], strides = [1, 1]} : vector<1536x96xbf16> to vector<96x96xbf16>
    %slice3A_731 = vector.extract_strided_slice %convert_element_type3A_608 {offsets = [1056, 0], sizes = [96, 96], strides = [1, 1]} : vector<1536x96xbf16> to vector<96x96xbf16>
    %get3A_732 = arith.constant 0 : index
    %get3A_733 = arith.constant 0 : index
    %get3A_734 = vector.load %arg13[%get3A_732, %get3A_733] : memref<8x96xbf16, #tpu.memory_space<vmem>>, vector<8x96xbf16>
    %concatenate3A_735 = tpu.concatenate %slice3A_730, %slice3A_731, %get3A_734 in 0 : vector<96x96xbf16>, vector<96x96xbf16>, vector<8x96xbf16> -> vector<200x96xbf16>
    %get3A_736 = arith.constant 0 : index
    %get3A_737 = arith.constant 0 : index
    %get3A_738 = vector.load %arg9[%get3A_736, %get3A_737] : memref<1664x200xbf16, #tpu.memory_space<vmem>>, vector<1664x200xbf16>
    %dot_general3A_739 = arith.constant dense<0.000000e+00> : vector<1664x96xf32>
    %dot_general3A_740 = tpu.matmul %get3A_738, %concatenate3A_735, %dot_general3A_739 {dimension_numbers = #tpu.dot_dimension_numbers<[1], [0], [0], [1], [0, 0, 1, 1], [], []>, transpose_lhs_hint = false} : vector<1664x200xbf16>, vector<200x96xbf16>, vector<1664x96xf32> -> vector<1664x96xf32>
    %slice3A_741 = vector.extract_strided_slice %convert_element_type3A_602 {offsets = [1152, 0], sizes = [96, 96], strides = [1, 1]} : vector<1536x96xbf16> to vector<96x96xbf16>
    %slice3A_742 = vector.extract_strided_slice %convert_element_type3A_608 {offsets = [1152, 0], sizes = [96, 96], strides = [1, 1]} : vector<1536x96xbf16> to vector<96x96xbf16>
    %get3A_743 = arith.constant 0 : index
    %get3A_744 = arith.constant 0 : index
    %get3A_745 = vector.load %arg13[%get3A_743, %get3A_744] : memref<8x96xbf16, #tpu.memory_space<vmem>>, vector<8x96xbf16>
    %concatenate3A_746 = tpu.concatenate %slice3A_741, %slice3A_742, %get3A_745 in 0 : vector<96x96xbf16>, vector<96x96xbf16>, vector<8x96xbf16> -> vector<200x96xbf16>
    %get3A_747 = arith.constant 0 : index
    %get3A_748 = arith.constant 0 : index
    %get3A_749 = vector.load %arg9[%get3A_747, %get3A_748] : memref<1664x200xbf16, #tpu.memory_space<vmem>>, vector<1664x200xbf16>
    %dot_general3A_750 = arith.constant dense<0.000000e+00> : vector<1664x96xf32>
    %dot_general3A_751 = tpu.matmul %get3A_749, %concatenate3A_746, %dot_general3A_750 {dimension_numbers = #tpu.dot_dimension_numbers<[1], [0], [0], [1], [0, 0, 1, 1], [], []>, transpose_lhs_hint = false} : vector<1664x200xbf16>, vector<200x96xbf16>, vector<1664x96xf32> -> vector<1664x96xf32>
    %slice3A_752 = vector.extract_strided_slice %convert_element_type3A_602 {offsets = [1248, 0], sizes = [96, 96], strides = [1, 1]} : vector<1536x96xbf16> to vector<96x96xbf16>
    %slice3A_753 = vector.extract_strided_slice %convert_element_type3A_608 {offsets = [1248, 0], sizes = [96, 96], strides = [1, 1]} : vector<1536x96xbf16> to vector<96x96xbf16>
    %get3A_754 = arith.constant 0 : index
    %get3A_755 = arith.constant 0 : index
    %get3A_756 = vector.load %arg13[%get3A_754, %get3A_755] : memref<8x96xbf16, #tpu.memory_space<vmem>>, vector<8x96xbf16>
    %concatenate3A_757 = tpu.concatenate %slice3A_752, %slice3A_753, %get3A_756 in 0 : vector<96x96xbf16>, vector<96x96xbf16>, vector<8x96xbf16> -> vector<200x96xbf16>
    %get3A_758 = arith.constant 0 : index
    %get3A_759 = arith.constant 0 : index
    %get3A_760 = vector.load %arg9[%get3A_758, %get3A_759] : memref<1664x200xbf16, #tpu.memory_space<vmem>>, vector<1664x200xbf16>
    %dot_general3A_761 = arith.constant dense<0.000000e+00> : vector<1664x96xf32>
    %dot_general3A_762 = tpu.matmul %get3A_760, %concatenate3A_757, %dot_general3A_761 {dimension_numbers = #tpu.dot_dimension_numbers<[1], [0], [0], [1], [0, 0, 1, 1], [], []>, transpose_lhs_hint = false} : vector<1664x200xbf16>, vector<200x96xbf16>, vector<1664x96xf32> -> vector<1664x96xf32>
    %slice3A_763 = vector.extract_strided_slice %convert_element_type3A_602 {offsets = [1344, 0], sizes = [96, 96], strides = [1, 1]} : vector<1536x96xbf16> to vector<96x96xbf16>
    %slice3A_764 = vector.extract_strided_slice %convert_element_type3A_608 {offsets = [1344, 0], sizes = [96, 96], strides = [1, 1]} : vector<1536x96xbf16> to vector<96x96xbf16>
    %get3A_765 = arith.constant 0 : index
    %get3A_766 = arith.constant 0 : index
    %get3A_767 = vector.load %arg13[%get3A_765, %get3A_766] : memref<8x96xbf16, #tpu.memory_space<vmem>>, vector<8x96xbf16>
    %concatenate3A_768 = tpu.concatenate %slice3A_763, %slice3A_764, %get3A_767 in 0 : vector<96x96xbf16>, vector<96x96xbf16>, vector<8x96xbf16> -> vector<200x96xbf16>
    %get3A_769 = arith.constant 0 : index
    %get3A_770 = arith.constant 0 : index
    %get3A_771 = vector.load %arg9[%get3A_769, %get3A_770] : memref<1664x200xbf16, #tpu.memory_space<vmem>>, vector<1664x200xbf16>
    %dot_general3A_772 = arith.constant dense<0.000000e+00> : vector<1664x96xf32>
    %dot_general3A_773 = tpu.matmul %get3A_771, %concatenate3A_768, %dot_general3A_772 {dimension_numbers = #tpu.dot_dimension_numbers<[1], [0], [0], [1], [0, 0, 1, 1], [], []>, transpose_lhs_hint = false} : vector<1664x200xbf16>, vector<200x96xbf16>, vector<1664x96xf32> -> vector<1664x96xf32>
    %slice3A_774 = vector.extract_strided_slice %convert_element_type3A_602 {offsets = [1440, 0], sizes = [96, 96], strides = [1, 1]} : vector<1536x96xbf16> to vector<96x96xbf16>
    %slice3A_775 = vector.extract_strided_slice %convert_element_type3A_608 {offsets = [1440, 0], sizes = [96, 96], strides = [1, 1]} : vector<1536x96xbf16> to vector<96x96xbf16>
    %get3A_776 = arith.constant 0 : index
    %get3A_777 = arith.constant 0 : index
    %get3A_778 = vector.load %arg13[%get3A_776, %get3A_777] : memref<8x96xbf16, #tpu.memory_space<vmem>>, vector<8x96xbf16>
    %concatenate3A_779 = tpu.concatenate %slice3A_774, %slice3A_775, %get3A_778 in 0 : vector<96x96xbf16>, vector<96x96xbf16>, vector<8x96xbf16> -> vector<200x96xbf16>
    %get3A_780 = arith.constant 0 : index
    %get3A_781 = arith.constant 0 : index
    %get3A_782 = vector.load %arg9[%get3A_780, %get3A_781] : memref<1664x200xbf16, #tpu.memory_space<vmem>>, vector<1664x200xbf16>
    %dot_general3A_783 = arith.constant dense<0.000000e+00> : vector<1664x96xf32>
    %dot_general3A_784 = tpu.matmul %get3A_782, %concatenate3A_779, %dot_general3A_783 {dimension_numbers = #tpu.dot_dimension_numbers<[1], [0], [0], [1], [0, 0, 1, 1], [], []>, transpose_lhs_hint = false} : vector<1664x200xbf16>, vector<200x96xbf16>, vector<1664x96xf32> -> vector<1664x96xf32>
    %concatenate3A_785 = tpu.concatenate %dot_general3A_619, %dot_general3A_630, %dot_general3A_641, %dot_general3A_652, %dot_general3A_663, %dot_general3A_674, %dot_general3A_685, %dot_general3A_696, %dot_general3A_707, %dot_general3A_718, %dot_general3A_729, %dot_general3A_740, %dot_general3A_751, %dot_general3A_762, %dot_general3A_773, %dot_general3A_784 in 0 : vector<1664x96xf32>, vector<1664x96xf32>, vector<1664x96xf32>, vector<1664x96xf32>, vector<1664x96xf32>, vector<1664x96xf32>, vector<1664x96xf32>, vector<1664x96xf32>, vector<1664x96xf32>, vector<1664x96xf32>, vector<1664x96xf32>, vector<1664x96xf32>, vector<1664x96xf32>, vector<1664x96xf32>, vector<1664x96xf32>, vector<1664x96xf32> -> vector<26624x96xf32>
    %max3A_786 = arith.constant 0.000000e+00 : f32
    %max3A_787 = vector.broadcast %max3A_786 : f32 to vector<26624x96xf32>
    %max3A_788 = arith.maximumf %concatenate3A_785, %max3A_787 : vector<26624x96xf32>
    %get3A_789 = arith.constant 0 : index
    %get3A_790 = arith.constant 0 : index
    %get3A_791 = vector.load %arg14[%get3A_789, %get3A_790] : memref<96x96xf32, #tpu.memory_space<vmem>>, vector<96x96xf32>
    %dot_general3A_792 = arith.constant dense<0.000000e+00> : vector<26624x96xf32>
    %dot_general3A_793 = tpu.matmul %max3A_788, %get3A_791, %dot_general3A_792 {dimension_numbers = #tpu.dot_dimension_numbers<[1], [0], [0], [1], [0, 0, 1, 1], [], []>, transpose_lhs_hint = false} : vector<26624x96xf32>, vector<96x96xf32>, vector<26624x96xf32> -> vector<26624x96xf32>
    %get3A_794 = arith.constant 0 : index
    %get3A_795 = arith.constant 0 : index
    %get3A_796 = vector.load %arg15[%get3A_794, %get3A_795] : memref<1x96xf32, #tpu.memory_space<vmem>>, vector<1x96xf32>
    %add3A_797 = vector.broadcast %get3A_796 : vector<1x96xf32> to vector<26624x96xf32>
    %add3A_798 = arith.addf %dot_general3A_793, %add3A_797 : vector<26624x96xf32>
    %max3A_799 = arith.constant 0.000000e+00 : f32
    %max3A_800 = vector.broadcast %max3A_799 : f32 to vector<26624x96xf32>
    %max3A_801 = arith.maximumf %add3A_798, %max3A_800 : vector<26624x96xf32>
    %get3A_802 = arith.constant 0 : index
    %get3A_803 = arith.constant 0 : index
    %get3A_804 = vector.load %arg10[%get3A_802, %get3A_803] : memref<96x1664xf32, #tpu.memory_space<vmem>>, vector<96x1664xf32>
    %slice3A_805 = vector.extract_strided_slice %max3A_801 {offsets = [0, 0], sizes = [1664, 96], strides = [1, 1]} : vector<26624x96xf32> to vector<1664x96xf32>
    %dot_general3A_806 = arith.constant dense<0.000000e+00> : vector<96x96xf32>
    %dot_general3A_807 = tpu.matmul %get3A_804, %slice3A_805, %dot_general3A_806 {dimension_numbers = #tpu.dot_dimension_numbers<[1], [0], [0], [1], [0, 0, 1, 1], [], []>, transpose_lhs_hint = false} : vector<96x1664xf32>, vector<1664x96xf32>, vector<96x96xf32> -> vector<96x96xf32>
    %get3A_808 = arith.constant 0 : index
    %get3A_809 = arith.constant 0 : index
    %get3A_810 = vector.load %arg10[%get3A_808, %get3A_809] : memref<96x1664xf32, #tpu.memory_space<vmem>>, vector<96x1664xf32>
    %slice3A_811 = vector.extract_strided_slice %max3A_801 {offsets = [1664, 0], sizes = [1664, 96], strides = [1, 1]} : vector<26624x96xf32> to vector<1664x96xf32>
    %dot_general3A_812 = arith.constant dense<0.000000e+00> : vector<96x96xf32>
    %dot_general3A_813 = tpu.matmul %get3A_810, %slice3A_811, %dot_general3A_812 {dimension_numbers = #tpu.dot_dimension_numbers<[1], [0], [0], [1], [0, 0, 1, 1], [], []>, transpose_lhs_hint = false} : vector<96x1664xf32>, vector<1664x96xf32>, vector<96x96xf32> -> vector<96x96xf32>
    %get3A_814 = arith.constant 0 : index
    %get3A_815 = arith.constant 0 : index
    %get3A_816 = vector.load %arg10[%get3A_814, %get3A_815] : memref<96x1664xf32, #tpu.memory_space<vmem>>, vector<96x1664xf32>
    %slice3A_817 = vector.extract_strided_slice %max3A_801 {offsets = [3328, 0], sizes = [1664, 96], strides = [1, 1]} : vector<26624x96xf32> to vector<1664x96xf32>
    %dot_general3A_818 = arith.constant dense<0.000000e+00> : vector<96x96xf32>
    %dot_general3A_819 = tpu.matmul %get3A_816, %slice3A_817, %dot_general3A_818 {dimension_numbers = #tpu.dot_dimension_numbers<[1], [0], [0], [1], [0, 0, 1, 1], [], []>, transpose_lhs_hint = false} : vector<96x1664xf32>, vector<1664x96xf32>, vector<96x96xf32> -> vector<96x96xf32>
    %get3A_820 = arith.constant 0 : index
    %get3A_821 = arith.constant 0 : index
    %get3A_822 = vector.load %arg10[%get3A_820, %get3A_821] : memref<96x1664xf32, #tpu.memory_space<vmem>>, vector<96x1664xf32>
    %slice3A_823 = vector.extract_strided_slice %max3A_801 {offsets = [4992, 0], sizes = [1664, 96], strides = [1, 1]} : vector<26624x96xf32> to vector<1664x96xf32>
    %dot_general3A_824 = arith.constant dense<0.000000e+00> : vector<96x96xf32>
    %dot_general3A_825 = tpu.matmul %get3A_822, %slice3A_823, %dot_general3A_824 {dimension_numbers = #tpu.dot_dimension_numbers<[1], [0], [0], [1], [0, 0, 1, 1], [], []>, transpose_lhs_hint = false} : vector<96x1664xf32>, vector<1664x96xf32>, vector<96x96xf32> -> vector<96x96xf32>
    %get3A_826 = arith.constant 0 : index
    %get3A_827 = arith.constant 0 : index
    %get3A_828 = vector.load %arg10[%get3A_826, %get3A_827] : memref<96x1664xf32, #tpu.memory_space<vmem>>, vector<96x1664xf32>
    %slice3A_829 = vector.extract_strided_slice %max3A_801 {offsets = [6656, 0], sizes = [1664, 96], strides = [1, 1]} : vector<26624x96xf32> to vector<1664x96xf32>
    %dot_general3A_830 = arith.constant dense<0.000000e+00> : vector<96x96xf32>
    %dot_general3A_831 = tpu.matmul %get3A_828, %slice3A_829, %dot_general3A_830 {dimension_numbers = #tpu.dot_dimension_numbers<[1], [0], [0], [1], [0, 0, 1, 1], [], []>, transpose_lhs_hint = false} : vector<96x1664xf32>, vector<1664x96xf32>, vector<96x96xf32> -> vector<96x96xf32>
    %get3A_832 = arith.constant 0 : index
    %get3A_833 = arith.constant 0 : index
    %get3A_834 = vector.load %arg10[%get3A_832, %get3A_833] : memref<96x1664xf32, #tpu.memory_space<vmem>>, vector<96x1664xf32>
    %slice3A_835 = vector.extract_strided_slice %max3A_801 {offsets = [8320, 0], sizes = [1664, 96], strides = [1, 1]} : vector<26624x96xf32> to vector<1664x96xf32>
    %dot_general3A_836 = arith.constant dense<0.000000e+00> : vector<96x96xf32>
    %dot_general3A_837 = tpu.matmul %get3A_834, %slice3A_835, %dot_general3A_836 {dimension_numbers = #tpu.dot_dimension_numbers<[1], [0], [0], [1], [0, 0, 1, 1], [], []>, transpose_lhs_hint = false} : vector<96x1664xf32>, vector<1664x96xf32>, vector<96x96xf32> -> vector<96x96xf32>
    %get3A_838 = arith.constant 0 : index
    %get3A_839 = arith.constant 0 : index
    %get3A_840 = vector.load %arg10[%get3A_838, %get3A_839] : memref<96x1664xf32, #tpu.memory_space<vmem>>, vector<96x1664xf32>
    %slice3A_841 = vector.extract_strided_slice %max3A_801 {offsets = [9984, 0], sizes = [1664, 96], strides = [1, 1]} : vector<26624x96xf32> to vector<1664x96xf32>
    %dot_general3A_842 = arith.constant dense<0.000000e+00> : vector<96x96xf32>
    %dot_general3A_843 = tpu.matmul %get3A_840, %slice3A_841, %dot_general3A_842 {dimension_numbers = #tpu.dot_dimension_numbers<[1], [0], [0], [1], [0, 0, 1, 1], [], []>, transpose_lhs_hint = false} : vector<96x1664xf32>, vector<1664x96xf32>, vector<96x96xf32> -> vector<96x96xf32>
    %get3A_844 = arith.constant 0 : index
    %get3A_845 = arith.constant 0 : index
    %get3A_846 = vector.load %arg10[%get3A_844, %get3A_845] : memref<96x1664xf32, #tpu.memory_space<vmem>>, vector<96x1664xf32>
    %slice3A_847 = vector.extract_strided_slice %max3A_801 {offsets = [11648, 0], sizes = [1664, 96], strides = [1, 1]} : vector<26624x96xf32> to vector<1664x96xf32>
    %dot_general3A_848 = arith.constant dense<0.000000e+00> : vector<96x96xf32>
    %dot_general3A_849 = tpu.matmul %get3A_846, %slice3A_847, %dot_general3A_848 {dimension_numbers = #tpu.dot_dimension_numbers<[1], [0], [0], [1], [0, 0, 1, 1], [], []>, transpose_lhs_hint = false} : vector<96x1664xf32>, vector<1664x96xf32>, vector<96x96xf32> -> vector<96x96xf32>
    %get3A_850 = arith.constant 0 : index
    %get3A_851 = arith.constant 0 : index
    %get3A_852 = vector.load %arg10[%get3A_850, %get3A_851] : memref<96x1664xf32, #tpu.memory_space<vmem>>, vector<96x1664xf32>
    %slice3A_853 = vector.extract_strided_slice %max3A_801 {offsets = [13312, 0], sizes = [1664, 96], strides = [1, 1]} : vector<26624x96xf32> to vector<1664x96xf32>
    %dot_general3A_854 = arith.constant dense<0.000000e+00> : vector<96x96xf32>
    %dot_general3A_855 = tpu.matmul %get3A_852, %slice3A_853, %dot_general3A_854 {dimension_numbers = #tpu.dot_dimension_numbers<[1], [0], [0], [1], [0, 0, 1, 1], [], []>, transpose_lhs_hint = false} : vector<96x1664xf32>, vector<1664x96xf32>, vector<96x96xf32> -> vector<96x96xf32>
    %get3A_856 = arith.constant 0 : index
    %get3A_857 = arith.constant 0 : index
    %get3A_858 = vector.load %arg10[%get3A_856, %get3A_857] : memref<96x1664xf32, #tpu.memory_space<vmem>>, vector<96x1664xf32>
    %slice3A_859 = vector.extract_strided_slice %max3A_801 {offsets = [14976, 0], sizes = [1664, 96], strides = [1, 1]} : vector<26624x96xf32> to vector<1664x96xf32>
    %dot_general3A_860 = arith.constant dense<0.000000e+00> : vector<96x96xf32>
    %dot_general3A_861 = tpu.matmul %get3A_858, %slice3A_859, %dot_general3A_860 {dimension_numbers = #tpu.dot_dimension_numbers<[1], [0], [0], [1], [0, 0, 1, 1], [], []>, transpose_lhs_hint = false} : vector<96x1664xf32>, vector<1664x96xf32>, vector<96x96xf32> -> vector<96x96xf32>
    %get3A_862 = arith.constant 0 : index
    %get3A_863 = arith.constant 0 : index
    %get3A_864 = vector.load %arg10[%get3A_862, %get3A_863] : memref<96x1664xf32, #tpu.memory_space<vmem>>, vector<96x1664xf32>
    %slice3A_865 = vector.extract_strided_slice %max3A_801 {offsets = [16640, 0], sizes = [1664, 96], strides = [1, 1]} : vector<26624x96xf32> to vector<1664x96xf32>
    %dot_general3A_866 = arith.constant dense<0.000000e+00> : vector<96x96xf32>
    %dot_general3A_867 = tpu.matmul %get3A_864, %slice3A_865, %dot_general3A_866 {dimension_numbers = #tpu.dot_dimension_numbers<[1], [0], [0], [1], [0, 0, 1, 1], [], []>, transpose_lhs_hint = false} : vector<96x1664xf32>, vector<1664x96xf32>, vector<96x96xf32> -> vector<96x96xf32>
    %get3A_868 = arith.constant 0 : index
    %get3A_869 = arith.constant 0 : index
    %get3A_870 = vector.load %arg10[%get3A_868, %get3A_869] : memref<96x1664xf32, #tpu.memory_space<vmem>>, vector<96x1664xf32>
    %slice3A_871 = vector.extract_strided_slice %max3A_801 {offsets = [18304, 0], sizes = [1664, 96], strides = [1, 1]} : vector<26624x96xf32> to vector<1664x96xf32>
    %dot_general3A_872 = arith.constant dense<0.000000e+00> : vector<96x96xf32>
    %dot_general3A_873 = tpu.matmul %get3A_870, %slice3A_871, %dot_general3A_872 {dimension_numbers = #tpu.dot_dimension_numbers<[1], [0], [0], [1], [0, 0, 1, 1], [], []>, transpose_lhs_hint = false} : vector<96x1664xf32>, vector<1664x96xf32>, vector<96x96xf32> -> vector<96x96xf32>
    %get3A_874 = arith.constant 0 : index
    %get3A_875 = arith.constant 0 : index
    %get3A_876 = vector.load %arg10[%get3A_874, %get3A_875] : memref<96x1664xf32, #tpu.memory_space<vmem>>, vector<96x1664xf32>
    %slice3A_877 = vector.extract_strided_slice %max3A_801 {offsets = [19968, 0], sizes = [1664, 96], strides = [1, 1]} : vector<26624x96xf32> to vector<1664x96xf32>
    %dot_general3A_878 = arith.constant dense<0.000000e+00> : vector<96x96xf32>
    %dot_general3A_879 = tpu.matmul %get3A_876, %slice3A_877, %dot_general3A_878 {dimension_numbers = #tpu.dot_dimension_numbers<[1], [0], [0], [1], [0, 0, 1, 1], [], []>, transpose_lhs_hint = false} : vector<96x1664xf32>, vector<1664x96xf32>, vector<96x96xf32> -> vector<96x96xf32>
    %get3A_880 = arith.constant 0 : index
    %get3A_881 = arith.constant 0 : index
    %get3A_882 = vector.load %arg10[%get3A_880, %get3A_881] : memref<96x1664xf32, #tpu.memory_space<vmem>>, vector<96x1664xf32>
    %slice3A_883 = vector.extract_strided_slice %max3A_801 {offsets = [21632, 0], sizes = [1664, 96], strides = [1, 1]} : vector<26624x96xf32> to vector<1664x96xf32>
    %dot_general3A_884 = arith.constant dense<0.000000e+00> : vector<96x96xf32>
    %dot_general3A_885 = tpu.matmul %get3A_882, %slice3A_883, %dot_general3A_884 {dimension_numbers = #tpu.dot_dimension_numbers<[1], [0], [0], [1], [0, 0, 1, 1], [], []>, transpose_lhs_hint = false} : vector<96x1664xf32>, vector<1664x96xf32>, vector<96x96xf32> -> vector<96x96xf32>
    %get3A_886 = arith.constant 0 : index
    %get3A_887 = arith.constant 0 : index
    %get3A_888 = vector.load %arg10[%get3A_886, %get3A_887] : memref<96x1664xf32, #tpu.memory_space<vmem>>, vector<96x1664xf32>
    %slice3A_889 = vector.extract_strided_slice %max3A_801 {offsets = [23296, 0], sizes = [1664, 96], strides = [1, 1]} : vector<26624x96xf32> to vector<1664x96xf32>
    %dot_general3A_890 = arith.constant dense<0.000000e+00> : vector<96x96xf32>
    %dot_general3A_891 = tpu.matmul %get3A_888, %slice3A_889, %dot_general3A_890 {dimension_numbers = #tpu.dot_dimension_numbers<[1], [0], [0], [1], [0, 0, 1, 1], [], []>, transpose_lhs_hint = false} : vector<96x1664xf32>, vector<1664x96xf32>, vector<96x96xf32> -> vector<96x96xf32>
    %get3A_892 = arith.constant 0 : index
    %get3A_893 = arith.constant 0 : index
    %get3A_894 = vector.load %arg10[%get3A_892, %get3A_893] : memref<96x1664xf32, #tpu.memory_space<vmem>>, vector<96x1664xf32>
    %slice3A_895 = vector.extract_strided_slice %max3A_801 {offsets = [24960, 0], sizes = [1664, 96], strides = [1, 1]} : vector<26624x96xf32> to vector<1664x96xf32>
    %dot_general3A_896 = arith.constant dense<0.000000e+00> : vector<96x96xf32>
    %dot_general3A_897 = tpu.matmul %get3A_894, %slice3A_895, %dot_general3A_896 {dimension_numbers = #tpu.dot_dimension_numbers<[1], [0], [0], [1], [0, 0, 1, 1], [], []>, transpose_lhs_hint = false} : vector<96x1664xf32>, vector<1664x96xf32>, vector<96x96xf32> -> vector<96x96xf32>
    %concatenate3A_898 = tpu.concatenate %dot_general3A_807, %dot_general3A_813, %dot_general3A_819, %dot_general3A_825, %dot_general3A_831, %dot_general3A_837, %dot_general3A_843, %dot_general3A_849, %dot_general3A_855, %dot_general3A_861, %dot_general3A_867, %dot_general3A_873, %dot_general3A_879, %dot_general3A_885, %dot_general3A_891, %dot_general3A_897 in 0 : vector<96x96xf32>, vector<96x96xf32>, vector<96x96xf32>, vector<96x96xf32>, vector<96x96xf32>, vector<96x96xf32>, vector<96x96xf32>, vector<96x96xf32>, vector<96x96xf32>, vector<96x96xf32>, vector<96x96xf32>, vector<96x96xf32>, vector<96x96xf32>, vector<96x96xf32>, vector<96x96xf32>, vector<96x96xf32> -> vector<1536x96xf32>
    %get3A_899 = arith.constant 0 : index
    %get3A_900 = arith.constant 0 : index
    %get3A_901 = vector.load %arg16[%get3A_899, %get3A_900] : memref<96x96xf32, #tpu.memory_space<vmem>>, vector<96x96xf32>
    %dot_general3A_902 = arith.constant dense<0.000000e+00> : vector<1536x96xf32>
    %dot_general3A_903 = tpu.matmul %concatenate3A_898, %get3A_901, %dot_general3A_902 {dimension_numbers = #tpu.dot_dimension_numbers<[1], [0], [0], [1], [0, 0, 1, 1], [], []>, transpose_lhs_hint = false} : vector<1536x96xf32>, vector<96x96xf32>, vector<1536x96xf32> -> vector<1536x96xf32>
    %get3A_904 = arith.constant 0 : index
    %get3A_905 = arith.constant 0 : index
    %get3A_906 = vector.load %arg17[%get3A_904, %get3A_905] : memref<1x96xf32, #tpu.memory_space<vmem>>, vector<1x96xf32>
    %add3A_907 = vector.broadcast %get3A_906 : vector<1x96xf32> to vector<1536x96xf32>
    %add3A_908 = arith.addf %dot_general3A_903, %add3A_907 : vector<1536x96xf32>
    %get3A_909 = arith.constant 0 : index
    %get3A_910 = arith.constant 0 : index
    %get3A_911 = vector.load %arg18[%get3A_909, %get3A_910] : memref<96x96xf32, #tpu.memory_space<vmem>>, vector<96x96xf32>
    %dot_general3A_912 = arith.constant dense<0.000000e+00> : vector<1536x96xf32>
    %dot_general3A_913 = tpu.matmul %add3A_36, %get3A_911, %dot_general3A_912 {dimension_numbers = #tpu.dot_dimension_numbers<[1], [0], [0], [1], [0, 0, 1, 1], [], []>, transpose_lhs_hint = false} : vector<1536x96xf32>, vector<96x96xf32>, vector<1536x96xf32> -> vector<1536x96xf32>
    %get3A_914 = arith.constant 0 : index
    %get3A_915 = arith.constant 0 : index
    %get3A_916 = vector.load %arg19[%get3A_914, %get3A_915] : memref<96x96xf32, #tpu.memory_space<vmem>>, vector<96x96xf32>
    %dot_general3A_917 = arith.constant dense<0.000000e+00> : vector<1536x96xf32>
    %dot_general3A_918 = tpu.matmul %add3A_908, %get3A_916, %dot_general3A_917 {dimension_numbers = #tpu.dot_dimension_numbers<[1], [0], [0], [1], [0, 0, 1, 1], [], []>, transpose_lhs_hint = false} : vector<1536x96xf32>, vector<96x96xf32>, vector<1536x96xf32> -> vector<1536x96xf32>
    %add3A_919 = arith.addf %dot_general3A_913, %dot_general3A_918 : vector<1536x96xf32>
    %get3A_920 = arith.constant 0 : index
    %get3A_921 = arith.constant 0 : index
    %get3A_922 = vector.load %arg20[%get3A_920, %get3A_921] : memref<1x96xf32, #tpu.memory_space<vmem>>, vector<1x96xf32>
    %add3A_923 = vector.broadcast %get3A_922 : vector<1x96xf32> to vector<1536x96xf32>
    %add3A_924 = arith.addf %add3A_919, %add3A_923 : vector<1536x96xf32>
    %max3A_925 = arith.constant 0.000000e+00 : f32
    %max3A_926 = vector.broadcast %max3A_925 : f32 to vector<1536x96xf32>
    %max3A_927 = arith.maximumf %add3A_924, %max3A_926 : vector<1536x96xf32>
    %get3A_928 = arith.constant 0 : index
    %get3A_929 = arith.constant 0 : index
    %get3A_930 = vector.load %arg21[%get3A_928, %get3A_929] : memref<96x96xf32, #tpu.memory_space<vmem>>, vector<96x96xf32>
    %dot_general3A_931 = arith.constant dense<0.000000e+00> : vector<1536x96xf32>
    %dot_general3A_932 = tpu.matmul %max3A_927, %get3A_930, %dot_general3A_931 {dimension_numbers = #tpu.dot_dimension_numbers<[1], [0], [0], [1], [0, 0, 1, 1], [], []>, transpose_lhs_hint = false} : vector<1536x96xf32>, vector<96x96xf32>, vector<1536x96xf32> -> vector<1536x96xf32>
    %get3A_933 = arith.constant 0 : index
    %get3A_934 = arith.constant 0 : index
    %get3A_935 = vector.load %arg22[%get3A_933, %get3A_934] : memref<1x96xf32, #tpu.memory_space<vmem>>, vector<1x96xf32>
    %add3A_936 = vector.broadcast %get3A_935 : vector<1x96xf32> to vector<1536x96xf32>
    %add3A_937 = arith.addf %dot_general3A_932, %add3A_936 : vector<1536x96xf32>
    %max3A_938 = arith.constant 0.000000e+00 : f32
    %max3A_939 = vector.broadcast %max3A_938 : f32 to vector<1536x96xf32>
    %max3A_940 = arith.maximumf %add3A_937, %max3A_939 : vector<1536x96xf32>
    %get3A_941 = arith.constant 0 : index
    %get3A_942 = arith.constant 0 : index
    %get3A_943 = vector.load %arg23[%get3A_941, %get3A_942] : memref<96x96xf32, #tpu.memory_space<vmem>>, vector<96x96xf32>
    %dot_general3A_944 = arith.constant dense<0.000000e+00> : vector<1536x96xf32>
    %dot_general3A_945 = tpu.matmul %max3A_940, %get3A_943, %dot_general3A_944 {dimension_numbers = #tpu.dot_dimension_numbers<[1], [0], [0], [1], [0, 0, 1, 1], [], []>, transpose_lhs_hint = false} : vector<1536x96xf32>, vector<96x96xf32>, vector<1536x96xf32> -> vector<1536x96xf32>
    %get3A_946 = arith.constant 0 : index
    %get3A_947 = arith.constant 0 : index
    %get3A_948 = vector.load %arg24[%get3A_946, %get3A_947] : memref<1x96xf32, #tpu.memory_space<vmem>>, vector<1x96xf32>
    %add3A_949 = vector.broadcast %get3A_948 : vector<1x96xf32> to vector<1536x96xf32>
    %add3A_950 = arith.addf %dot_general3A_945, %add3A_949 : vector<1536x96xf32>
    %get3A_951 = arith.constant 0 : index
    %get3A_952 = arith.constant 0 : index
    %get3A_953 = vector.load %arg25[%get3A_951, %get3A_952] : memref<96x384xf32, #tpu.memory_space<vmem>>, vector<96x384xf32>
    %dot_general3A_954 = arith.constant dense<0.000000e+00> : vector<1536x384xf32>
    %dot_general3A_955 = tpu.matmul %add3A_950, %get3A_953, %dot_general3A_954 {dimension_numbers = #tpu.dot_dimension_numbers<[1], [0], [0], [1], [0, 0, 1, 1], [], []>, transpose_lhs_hint = false} : vector<1536x96xf32>, vector<96x384xf32>, vector<1536x384xf32> -> vector<1536x384xf32>
    %get3A_956 = arith.constant 0 : index
    %get3A_957 = arith.constant 0 : index
    %get3A_958 = vector.load %arg26[%get3A_956, %get3A_957] : memref<96x384xf32, #tpu.memory_space<vmem>>, vector<96x384xf32>
    %dot_general3A_959 = arith.constant dense<0.000000e+00> : vector<1536x384xf32>
    %dot_general3A_960 = tpu.matmul %mul3A_433, %get3A_958, %dot_general3A_959 {dimension_numbers = #tpu.dot_dimension_numbers<[1], [0], [0], [1], [0, 0, 1, 1], [], []>, transpose_lhs_hint = false} : vector<1536x96xf32>, vector<96x384xf32>, vector<1536x384xf32> -> vector<1536x384xf32>
    %add3A_961 = arith.addf %dot_general3A_955, %dot_general3A_960 : vector<1536x384xf32>
    %get3A_962 = arith.constant 0 : index
    %get3A_963 = arith.constant 0 : index
    %get3A_964 = vector.load %arg27[%get3A_962, %get3A_963] : memref<1x384xf32, #tpu.memory_space<vmem>>, vector<1x384xf32>
    %add3A_965 = vector.broadcast %get3A_964 : vector<1x384xf32> to vector<1536x384xf32>
    %add3A_966 = arith.addf %add3A_961, %add3A_965 : vector<1536x384xf32>
    %slice3A_967 = vector.extract_strided_slice %add3A_966 {offsets = [0, 0], sizes = [1536, 96], strides = [1, 1]} : vector<1536x384xf32> to vector<1536x96xf32>
    %slice3A_968 = vector.extract_strided_slice %add3A_966 {offsets = [0, 96], sizes = [1536, 96], strides = [1, 1]} : vector<1536x384xf32> to vector<1536x96xf32>
    %slice3A_969 = vector.extract_strided_slice %add3A_966 {offsets = [0, 192], sizes = [1536, 96], strides = [1, 1]} : vector<1536x384xf32> to vector<1536x96xf32>
    %slice3A_970 = vector.extract_strided_slice %add3A_966 {offsets = [0, 288], sizes = [1536, 96], strides = [1, 1]} : vector<1536x384xf32> to vector<1536x96xf32>
    %logistic3A_971 = arith.negf %slice3A_968 : vector<1536x96xf32>
    %logistic3A_972 = math.exp %logistic3A_971 : vector<1536x96xf32>
    %logistic3A_973 = arith.constant 1.000000e+00 : f32
    %logistic3A_974 = vector.broadcast %logistic3A_973 : f32 to vector<1536x96xf32>
    %logistic3A_975 = arith.addf %logistic3A_974, %logistic3A_972 : vector<1536x96xf32>
    %logistic3A_976 = arith.divf %logistic3A_974, %logistic3A_975 : vector<1536x96xf32>
    %mul3A_977 = arith.mulf %logistic3A_976, %add3A_425 : vector<1536x96xf32>
    %logistic3A_978 = arith.negf %slice3A_967 : vector<1536x96xf32>
    %logistic3A_979 = math.exp %logistic3A_978 : vector<1536x96xf32>
    %logistic3A_980 = arith.constant 1.000000e+00 : f32
    %logistic3A_981 = vector.broadcast %logistic3A_980 : f32 to vector<1536x96xf32>
    %logistic3A_982 = arith.addf %logistic3A_981, %logistic3A_979 : vector<1536x96xf32>
    %logistic3A_983 = arith.divf %logistic3A_981, %logistic3A_982 : vector<1536x96xf32>
    %tanh3A_984 = math.tanh %slice3A_969 : vector<1536x96xf32>
    %mul3A_985 = arith.mulf %logistic3A_983, %tanh3A_984 : vector<1536x96xf32>
    %add3A_986 = arith.addf %mul3A_977, %mul3A_985 : vector<1536x96xf32>
    %logistic3A_987 = arith.negf %slice3A_970 : vector<1536x96xf32>
    %logistic3A_988 = math.exp %logistic3A_987 : vector<1536x96xf32>
    %logistic3A_989 = arith.constant 1.000000e+00 : f32
    %logistic3A_990 = vector.broadcast %logistic3A_989 : f32 to vector<1536x96xf32>
    %logistic3A_991 = arith.addf %logistic3A_990, %logistic3A_988 : vector<1536x96xf32>
    %logistic3A_992 = arith.divf %logistic3A_990, %logistic3A_991 : vector<1536x96xf32>
    %tanh3A_993 = math.tanh %add3A_986 : vector<1536x96xf32>
    %mul3A_994 = arith.mulf %logistic3A_992, %tanh3A_993 : vector<1536x96xf32>
    %get3A_995 = arith.constant 0 : index
    %get3A_996 = arith.constant 0 : index
    %get3A_997 = vector.load %arg28[%get3A_995, %get3A_996] : memref<96x96xf32, #tpu.memory_space<vmem>>, vector<96x96xf32>
    %dot_general3A_998 = arith.constant dense<0.000000e+00> : vector<1536x96xf32>
    %dot_general3A_999 = tpu.matmul %mul3A_994, %get3A_997, %dot_general3A_998 {dimension_numbers = #tpu.dot_dimension_numbers<[1], [0], [0], [1], [0, 0, 1, 1], [], []>, transpose_lhs_hint = false} : vector<1536x96xf32>, vector<96x96xf32>, vector<1536x96xf32> -> vector<1536x96xf32>
    %get3A_1000 = arith.constant 0 : index
    %get3A_1001 = arith.constant 0 : index
    %get3A_1002 = vector.load %arg29[%get3A_1000, %get3A_1001] : memref<1x96xf32, #tpu.memory_space<vmem>>, vector<1x96xf32>
    %add3A_1003 = vector.broadcast %get3A_1002 : vector<1x96xf32> to vector<1536x96xf32>
    %add3A_1004 = arith.addf %dot_general3A_999, %add3A_1003 : vector<1536x96xf32>
    %max3A_1005 = arith.constant 0.000000e+00 : f32
    %max3A_1006 = vector.broadcast %max3A_1005 : f32 to vector<1536x96xf32>
    %max3A_1007 = arith.maximumf %add3A_1004, %max3A_1006 : vector<1536x96xf32>
    %get3A_1008 = arith.constant 0 : index
    %get3A_1009 = arith.constant 0 : index
    %get3A_1010 = vector.load %arg30[%get3A_1008, %get3A_1009] : memref<96x96xf32, #tpu.memory_space<vmem>>, vector<96x96xf32>
    %dot_general3A_1011 = arith.constant dense<0.000000e+00> : vector<1536x96xf32>
    %dot_general3A_1012 = tpu.matmul %max3A_1007, %get3A_1010, %dot_general3A_1011 {dimension_numbers = #tpu.dot_dimension_numbers<[1], [0], [0], [1], [0, 0, 1, 1], [], []>, transpose_lhs_hint = false} : vector<1536x96xf32>, vector<96x96xf32>, vector<1536x96xf32> -> vector<1536x96xf32>
    %get3A_1013 = arith.constant 0 : index
    %get3A_1014 = arith.constant 0 : index
    %get3A_1015 = vector.load %arg31[%get3A_1013, %get3A_1014] : memref<1x96xf32, #tpu.memory_space<vmem>>, vector<1x96xf32>
    %add3A_1016 = vector.broadcast %get3A_1015 : vector<1x96xf32> to vector<1536x96xf32>
    %add3A_1017 = arith.addf %dot_general3A_1012, %add3A_1016 : vector<1536x96xf32>
    %max3A_1018 = arith.constant 0.000000e+00 : f32
    %max3A_1019 = vector.broadcast %max3A_1018 : f32 to vector<1536x96xf32>
    %max3A_1020 = arith.maximumf %add3A_1017, %max3A_1019 : vector<1536x96xf32>
    %get3A_1021 = arith.constant 0 : index
    %get3A_1022 = arith.constant 0 : index
    %get3A_1023 = vector.load %arg32[%get3A_1021, %get3A_1022] : memref<96x9xf32, #tpu.memory_space<vmem>>, vector<96x9xf32>
    %dot_general3A_1024 = arith.constant dense<0.000000e+00> : vector<1536x9xf32>
    %dot_general3A_1025 = tpu.matmul %max3A_1020, %get3A_1023, %dot_general3A_1024 {dimension_numbers = #tpu.dot_dimension_numbers<[1], [0], [0], [1], [0, 0, 1, 1], [], []>, transpose_lhs_hint = false} : vector<1536x96xf32>, vector<96x9xf32>, vector<1536x9xf32> -> vector<1536x9xf32>
    %get3A_1026 = arith.constant 0 : index
    %get3A_1027 = arith.constant 0 : index
    %get3A_1028 = vector.load %arg33[%get3A_1026, %get3A_1027] : memref<1x9xf32, #tpu.memory_space<vmem>>, vector<1x9xf32>
    %add3A_1029 = vector.broadcast %get3A_1028 : vector<1x9xf32> to vector<1536x9xf32>
    %add3A_1030 = arith.addf %dot_general3A_1025, %add3A_1029 : vector<1536x9xf32>
    %slice3A_1031 = vector.extract_strided_slice %add3A_1030 {offsets = [0, 0], sizes = [81, 9], strides = [1, 1]} : vector<1536x9xf32> to vector<81x9xf32>
    %swap3A_1032 = arith.constant 1 : index
    %swap3A_1033 = arith.constant 0 : index
    %swap3A_1034 = arith.constant 0 : index
    %swap3A_1035 = arith.constant 0 : index
    %swap3A_1036 = vector.load %arg34[%swap3A_1032, %swap3A_1033, %swap3A_1034, %swap3A_1035] : memref<2x16x81x9xf32, #tpu.memory_space<vmem>>, vector<1x1x81x9xf32>
    %swap3A_1037 = vector.shape_cast %swap3A_1036 : vector<1x1x81x9xf32> to vector<81x9xf32>
    %swap3A_1038 = vector.shape_cast %slice3A_1031 : vector<81x9xf32> to vector<1x1x81x9xf32>
    tpu.vector_store %arg34[%swap3A_1032, %swap3A_1033, %swap3A_1034, %swap3A_1035], %swap3A_1038 {strides = array<i32>} : memref<2x16x81x9xf32, #tpu.memory_space<vmem>>, vector<1x1x81x9xf32>,
    %slice3A_1039 = vector.extract_strided_slice %add3A_1030 {offsets = [96, 0], sizes = [81, 9], strides = [1, 1]} : vector<1536x9xf32> to vector<81x9xf32>
    %swap3A_1040 = arith.constant 1 : index
    %swap3A_1041 = arith.constant 1 : index
    %swap3A_1042 = arith.constant 0 : index
    %swap3A_1043 = arith.constant 0 : index
    %swap3A_1044 = vector.load %arg34[%swap3A_1040, %swap3A_1041, %swap3A_1042, %swap3A_1043] : memref<2x16x81x9xf32, #tpu.memory_space<vmem>>, vector<1x1x81x9xf32>
    %swap3A_1045 = vector.shape_cast %swap3A_1044 : vector<1x1x81x9xf32> to vector<81x9xf32>
    %swap3A_1046 = vector.shape_cast %slice3A_1039 : vector<81x9xf32> to vector<1x1x81x9xf32>
    tpu.vector_store %arg34[%swap3A_1040, %swap3A_1041, %swap3A_1042, %swap3A_1043], %swap3A_1046 {strides = array<i32>} : memref<2x16x81x9xf32, #tpu.memory_space<vmem>>, vector<1x1x81x9xf32>,
    %slice3A_1047 = vector.extract_strided_slice %add3A_1030 {offsets = [192, 0], sizes = [81, 9], strides = [1, 1]} : vector<1536x9xf32> to vector<81x9xf32>
    %swap3A_1048 = arith.constant 1 : index
    %swap3A_1049 = arith.constant 2 : index
    %swap3A_1050 = arith.constant 0 : index
    %swap3A_1051 = arith.constant 0 : index
    %swap3A_1052 = vector.load %arg34[%swap3A_1048, %swap3A_1049, %swap3A_1050, %swap3A_1051] : memref<2x16x81x9xf32, #tpu.memory_space<vmem>>, vector<1x1x81x9xf32>
    %swap3A_1053 = vector.shape_cast %swap3A_1052 : vector<1x1x81x9xf32> to vector<81x9xf32>
    %swap3A_1054 = vector.shape_cast %slice3A_1047 : vector<81x9xf32> to vector<1x1x81x9xf32>
    tpu.vector_store %arg34[%swap3A_1048, %swap3A_1049, %swap3A_1050, %swap3A_1051], %swap3A_1054 {strides = array<i32>} : memref<2x16x81x9xf32, #tpu.memory_space<vmem>>, vector<1x1x81x9xf32>,
    %slice3A_1055 = vector.extract_strided_slice %add3A_1030 {offsets = [288, 0], sizes = [81, 9], strides = [1, 1]} : vector<1536x9xf32> to vector<81x9xf32>
    %swap3A_1056 = arith.constant 1 : index
    %swap3A_1057 = arith.constant 3 : index
    %swap3A_1058 = arith.constant 0 : index
    %swap3A_1059 = arith.constant 0 : index
    %swap3A_1060 = vector.load %arg34[%swap3A_1056, %swap3A_1057, %swap3A_1058, %swap3A_1059] : memref<2x16x81x9xf32, #tpu.memory_space<vmem>>, vector<1x1x81x9xf32>
    %swap3A_1061 = vector.shape_cast %swap3A_1060 : vector<1x1x81x9xf32> to vector<81x9xf32>
    %swap3A_1062 = vector.shape_cast %slice3A_1055 : vector<81x9xf32> to vector<1x1x81x9xf32>
    tpu.vector_store %arg34[%swap3A_1056, %swap3A_1057, %swap3A_1058, %swap3A_1059], %swap3A_1062 {strides = array<i32>} : memref<2x16x81x9xf32, #tpu.memory_space<vmem>>, vector<1x1x81x9xf32>,
    %slice3A_1063 = vector.extract_strided_slice %add3A_1030 {offsets = [384, 0], sizes = [81, 9], strides = [1, 1]} : vector<1536x9xf32> to vector<81x9xf32>
    %swap3A_1064 = arith.constant 1 : index
    %swap3A_1065 = arith.constant 4 : index
    %swap3A_1066 = arith.constant 0 : index
    %swap3A_1067 = arith.constant 0 : index
    %swap3A_1068 = vector.load %arg34[%swap3A_1064, %swap3A_1065, %swap3A_1066, %swap3A_1067] : memref<2x16x81x9xf32, #tpu.memory_space<vmem>>, vector<1x1x81x9xf32>
    %swap3A_1069 = vector.shape_cast %swap3A_1068 : vector<1x1x81x9xf32> to vector<81x9xf32>
    %swap3A_1070 = vector.shape_cast %slice3A_1063 : vector<81x9xf32> to vector<1x1x81x9xf32>
    tpu.vector_store %arg34[%swap3A_1064, %swap3A_1065, %swap3A_1066, %swap3A_1067], %swap3A_1070 {strides = array<i32>} : memref<2x16x81x9xf32, #tpu.memory_space<vmem>>, vector<1x1x81x9xf32>,
    %slice3A_1071 = vector.extract_strided_slice %add3A_1030 {offsets = [480, 0], sizes = [81, 9], strides = [1, 1]} : vector<1536x9xf32> to vector<81x9xf32>
    %swap3A_1072 = arith.constant 1 : index
    %swap3A_1073 = arith.constant 5 : index
    %swap3A_1074 = arith.constant 0 : index
    %swap3A_1075 = arith.constant 0 : index
    %swap3A_1076 = vector.load %arg34[%swap3A_1072, %swap3A_1073, %swap3A_1074, %swap3A_1075] : memref<2x16x81x9xf32, #tpu.memory_space<vmem>>, vector<1x1x81x9xf32>
    %swap3A_1077 = vector.shape_cast %swap3A_1076 : vector<1x1x81x9xf32> to vector<81x9xf32>
    %swap3A_1078 = vector.shape_cast %slice3A_1071 : vector<81x9xf32> to vector<1x1x81x9xf32>
    tpu.vector_store %arg34[%swap3A_1072, %swap3A_1073, %swap3A_1074, %swap3A_1075], %swap3A_1078 {strides = array<i32>} : memref<2x16x81x9xf32, #tpu.memory_space<vmem>>, vector<1x1x81x9xf32>,
    %slice3A_1079 = vector.extract_strided_slice %add3A_1030 {offsets = [576, 0], sizes = [81, 9], strides = [1, 1]} : vector<1536x9xf32> to vector<81x9xf32>
    %swap3A_1080 = arith.constant 1 : index
    %swap3A_1081 = arith.constant 6 : index
    %swap3A_1082 = arith.constant 0 : index
    %swap3A_1083 = arith.constant 0 : index
    %swap3A_1084 = vector.load %arg34[%swap3A_1080, %swap3A_1081, %swap3A_1082, %swap3A_1083] : memref<2x16x81x9xf32, #tpu.memory_space<vmem>>, vector<1x1x81x9xf32>
    %swap3A_1085 = vector.shape_cast %swap3A_1084 : vector<1x1x81x9xf32> to vector<81x9xf32>
    %swap3A_1086 = vector.shape_cast %slice3A_1079 : vector<81x9xf32> to vector<1x1x81x9xf32>
    tpu.vector_store %arg34[%swap3A_1080, %swap3A_1081, %swap3A_1082, %swap3A_1083], %swap3A_1086 {strides = array<i32>} : memref<2x16x81x9xf32, #tpu.memory_space<vmem>>, vector<1x1x81x9xf32>,
    %slice3A_1087 = vector.extract_strided_slice %add3A_1030 {offsets = [672, 0], sizes = [81, 9], strides = [1, 1]} : vector<1536x9xf32> to vector<81x9xf32>
    %swap3A_1088 = arith.constant 1 : index
    %swap3A_1089 = arith.constant 7 : index
    %swap3A_1090 = arith.constant 0 : index
    %swap3A_1091 = arith.constant 0 : index
    %swap3A_1092 = vector.load %arg34[%swap3A_1088, %swap3A_1089, %swap3A_1090, %swap3A_1091] : memref<2x16x81x9xf32, #tpu.memory_space<vmem>>, vector<1x1x81x9xf32>
    %swap3A_1093 = vector.shape_cast %swap3A_1092 : vector<1x1x81x9xf32> to vector<81x9xf32>
    %swap3A_1094 = vector.shape_cast %slice3A_1087 : vector<81x9xf32> to vector<1x1x81x9xf32>
    tpu.vector_store %arg34[%swap3A_1088, %swap3A_1089, %swap3A_1090, %swap3A_1091], %swap3A_1094 {strides = array<i32>} : memref<2x16x81x9xf32, #tpu.memory_space<vmem>>, vector<1x1x81x9xf32>,
    %slice3A_1095 = vector.extract_strided_slice %add3A_1030 {offsets = [768, 0], sizes = [81, 9], strides = [1, 1]} : vector<1536x9xf32> to vector<81x9xf32>
    %swap3A_1096 = arith.constant 1 : index
    %swap3A_1097 = arith.constant 8 : index
    %swap3A_1098 = arith.constant 0 : index
    %swap3A_1099 = arith.constant 0 : index
    %swap3A_1100 = vector.load %arg34[%swap3A_1096, %swap3A_1097, %swap3A_1098, %swap3A_1099] : memref<2x16x81x9xf32, #tpu.memory_space<vmem>>, vector<1x1x81x9xf32>
    %swap3A_1101 = vector.shape_cast %swap3A_1100 : vector<1x1x81x9xf32> to vector<81x9xf32>
    %swap3A_1102 = vector.shape_cast %slice3A_1095 : vector<81x9xf32> to vector<1x1x81x9xf32>
    tpu.vector_store %arg34[%swap3A_1096, %swap3A_1097, %swap3A_1098, %swap3A_1099], %swap3A_1102 {strides = array<i32>} : memref<2x16x81x9xf32, #tpu.memory_space<vmem>>, vector<1x1x81x9xf32>,
    %slice3A_1103 = vector.extract_strided_slice %add3A_1030 {offsets = [864, 0], sizes = [81, 9], strides = [1, 1]} : vector<1536x9xf32> to vector<81x9xf32>
    %swap3A_1104 = arith.constant 1 : index
    %swap3A_1105 = arith.constant 9 : index
    %swap3A_1106 = arith.constant 0 : index
    %swap3A_1107 = arith.constant 0 : index
    %swap3A_1108 = vector.load %arg34[%swap3A_1104, %swap3A_1105, %swap3A_1106, %swap3A_1107] : memref<2x16x81x9xf32, #tpu.memory_space<vmem>>, vector<1x1x81x9xf32>
    %swap3A_1109 = vector.shape_cast %swap3A_1108 : vector<1x1x81x9xf32> to vector<81x9xf32>
    %swap3A_1110 = vector.shape_cast %slice3A_1103 : vector<81x9xf32> to vector<1x1x81x9xf32>
    tpu.vector_store %arg34[%swap3A_1104, %swap3A_1105, %swap3A_1106, %swap3A_1107], %swap3A_1110 {strides = array<i32>} : memref<2x16x81x9xf32, #tpu.memory_space<vmem>>, vector<1x1x81x9xf32>,
    %slice3A_1111 = vector.extract_strided_slice %add3A_1030 {offsets = [960, 0], sizes = [81, 9], strides = [1, 1]} : vector<1536x9xf32> to vector<81x9xf32>
    %swap3A_1112 = arith.constant 1 : index
    %swap3A_1113 = arith.constant 10 : index
    %swap3A_1114 = arith.constant 0 : index
    %swap3A_1115 = arith.constant 0 : index
    %swap3A_1116 = vector.load %arg34[%swap3A_1112, %swap3A_1113, %swap3A_1114, %swap3A_1115] : memref<2x16x81x9xf32, #tpu.memory_space<vmem>>, vector<1x1x81x9xf32>
    %swap3A_1117 = vector.shape_cast %swap3A_1116 : vector<1x1x81x9xf32> to vector<81x9xf32>
    %swap3A_1118 = vector.shape_cast %slice3A_1111 : vector<81x9xf32> to vector<1x1x81x9xf32>
    tpu.vector_store %arg34[%swap3A_1112, %swap3A_1113, %swap3A_1114, %swap3A_1115], %swap3A_1118 {strides = array<i32>} : memref<2x16x81x9xf32, #tpu.memory_space<vmem>>, vector<1x1x81x9xf32>,
    %slice3A_1119 = vector.extract_strided_slice %add3A_1030 {offsets = [1056, 0], sizes = [81, 9], strides = [1, 1]} : vector<1536x9xf32> to vector<81x9xf32>
    %swap3A_1120 = arith.constant 1 : index
    %swap3A_1121 = arith.constant 11 : index
    %swap3A_1122 = arith.constant 0 : index
    %swap3A_1123 = arith.constant 0 : index
    %swap3A_1124 = vector.load %arg34[%swap3A_1120, %swap3A_1121, %swap3A_1122, %swap3A_1123] : memref<2x16x81x9xf32, #tpu.memory_space<vmem>>, vector<1x1x81x9xf32>
    %swap3A_1125 = vector.shape_cast %swap3A_1124 : vector<1x1x81x9xf32> to vector<81x9xf32>
    %swap3A_1126 = vector.shape_cast %slice3A_1119 : vector<81x9xf32> to vector<1x1x81x9xf32>
    tpu.vector_store %arg34[%swap3A_1120, %swap3A_1121, %swap3A_1122, %swap3A_1123], %swap3A_1126 {strides = array<i32>} : memref<2x16x81x9xf32, #tpu.memory_space<vmem>>, vector<1x1x81x9xf32>,
    %slice3A_1127 = vector.extract_strided_slice %add3A_1030 {offsets = [1152, 0], sizes = [81, 9], strides = [1, 1]} : vector<1536x9xf32> to vector<81x9xf32>
    %swap3A_1128 = arith.constant 1 : index
    %swap3A_1129 = arith.constant 12 : index
    %swap3A_1130 = arith.constant 0 : index
    %swap3A_1131 = arith.constant 0 : index
    %swap3A_1132 = vector.load %arg34[%swap3A_1128, %swap3A_1129, %swap3A_1130, %swap3A_1131] : memref<2x16x81x9xf32, #tpu.memory_space<vmem>>, vector<1x1x81x9xf32>
    %swap3A_1133 = vector.shape_cast %swap3A_1132 : vector<1x1x81x9xf32> to vector<81x9xf32>
    %swap3A_1134 = vector.shape_cast %slice3A_1127 : vector<81x9xf32> to vector<1x1x81x9xf32>
    tpu.vector_store %arg34[%swap3A_1128, %swap3A_1129, %swap3A_1130, %swap3A_1131], %swap3A_1134 {strides = array<i32>} : memref<2x16x81x9xf32, #tpu.memory_space<vmem>>, vector<1x1x81x9xf32>,
    %slice3A_1135 = vector.extract_strided_slice %add3A_1030 {offsets = [1248, 0], sizes = [81, 9], strides = [1, 1]} : vector<1536x9xf32> to vector<81x9xf32>
    %swap3A_1136 = arith.constant 1 : index
    %swap3A_1137 = arith.constant 13 : index
    %swap3A_1138 = arith.constant 0 : index
    %swap3A_1139 = arith.constant 0 : index
    %swap3A_1140 = vector.load %arg34[%swap3A_1136, %swap3A_1137, %swap3A_1138, %swap3A_1139] : memref<2x16x81x9xf32, #tpu.memory_space<vmem>>, vector<1x1x81x9xf32>
    %swap3A_1141 = vector.shape_cast %swap3A_1140 : vector<1x1x81x9xf32> to vector<81x9xf32>
    %swap3A_1142 = vector.shape_cast %slice3A_1135 : vector<81x9xf32> to vector<1x1x81x9xf32>
    tpu.vector_store %arg34[%swap3A_1136, %swap3A_1137, %swap3A_1138, %swap3A_1139], %swap3A_1142 {strides = array<i32>} : memref<2x16x81x9xf32, #tpu.memory_space<vmem>>, vector<1x1x81x9xf32>,
    %slice3A_1143 = vector.extract_strided_slice %add3A_1030 {offsets = [1344, 0], sizes = [81, 9], strides = [1, 1]} : vector<1536x9xf32> to vector<81x9xf32>
    %swap3A_1144 = arith.constant 1 : index
    %swap3A_1145 = arith.constant 14 : index
    %swap3A_1146 = arith.constant 0 : index
    %swap3A_1147 = arith.constant 0 : index
    %swap3A_1148 = vector.load %arg34[%swap3A_1144, %swap3A_1145, %swap3A_1146, %swap3A_1147] : memref<2x16x81x9xf32, #tpu.memory_space<vmem>>, vector<1x1x81x9xf32>
    %swap3A_1149 = vector.shape_cast %swap3A_1148 : vector<1x1x81x9xf32> to vector<81x9xf32>
    %swap3A_1150 = vector.shape_cast %slice3A_1143 : vector<81x9xf32> to vector<1x1x81x9xf32>
    tpu.vector_store %arg34[%swap3A_1144, %swap3A_1145, %swap3A_1146, %swap3A_1147], %swap3A_1150 {strides = array<i32>} : memref<2x16x81x9xf32, #tpu.memory_space<vmem>>, vector<1x1x81x9xf32>,
    %slice3A_1151 = vector.extract_strided_slice %add3A_1030 {offsets = [1440, 0], sizes = [81, 9], strides = [1, 1]} : vector<1536x9xf32> to vector<81x9xf32>
    %swap3A_1152 = arith.constant 1 : index
    %swap3A_1153 = arith.constant 15 : index
    %swap3A_1154 = arith.constant 0 : index
    %swap3A_1155 = arith.constant 0 : index
    %swap3A_1156 = vector.load %arg34[%swap3A_1152, %swap3A_1153, %swap3A_1154, %swap3A_1155] : memref<2x16x81x9xf32, #tpu.memory_space<vmem>>, vector<1x1x81x9xf32>
    %swap3A_1157 = vector.shape_cast %swap3A_1156 : vector<1x1x81x9xf32> to vector<81x9xf32>
    %swap3A_1158 = vector.shape_cast %slice3A_1151 : vector<81x9xf32> to vector<1x1x81x9xf32>
    tpu.vector_store %arg34[%swap3A_1152, %swap3A_1153, %swap3A_1154, %swap3A_1155], %swap3A_1158 {strides = array<i32>} : memref<2x16x81x9xf32, #tpu.memory_space<vmem>>, vector<1x1x81x9xf32>,
    return
  }
  func.func @transform_0(%arg0: i32) -> (i32, i32, i32) {
    %c0_i32 = arith.constant 0 : i32
    %c0_i32_0 = arith.constant 0 : i32
    %c0_i32_1 = arith.constant 0 : i32
    return %arg0, %c0_i32, %c0_i32_0 : i32, i32, i32
  }
  func.func @transform_1(%arg0: i32) -> (i32, i32, i32) {
    %c0_i32 = arith.constant 0 : i32
    %c0_i32_0 = arith.constant 0 : i32
    %c0_i32_1 = arith.constant 0 : i32
    return %arg0, %c0_i32, %c0_i32_0 : i32, i32, i32
  }
  func.func @transform_2(%arg0: i32) -> (i32, i32) {
    %c0_i32 = arith.constant 0 : i32
    %c0_i32_0 = arith.constant 0 : i32
    %c0_i32_1 = arith.constant 0 : i32
    return %c0_i32, %c0_i32_0 : i32, i32
  }
  func.func @transform_3(%arg0: i32) -> (i32, i32) {
    %c0_i32 = arith.constant 0 : i32
    %c0_i32_0 = arith.constant 0 : i32
    %c0_i32_1 = arith.constant 0 : i32
    return %c0_i32, %c0_i32_0 : i32, i32
  }
  func.func @transform_4(%arg0: i32) -> (i32, i32) {
    %c0_i32 = arith.constant 0 : i32
    %c0_i32_0 = arith.constant 0 : i32
    %c0_i32_1 = arith.constant 0 : i32
    return %c0_i32, %c0_i32_0 : i32, i32
  }
  func.func @transform_5(%arg0: i32) -> (i32, i32) {
    %c0_i32 = arith.constant 0 : i32
    %c0_i32_0 = arith.constant 0 : i32
    %c0_i32_1 = arith.constant 0 : i32
    return %c0_i32, %c0_i32_0 : i32, i32
  }
  func.func @transform_6(%arg0: i32) -> (i32, i32) {
    %c0_i32 = arith.constant 0 : i32
    %c0_i32_0 = arith.constant 0 : i32
    %c0_i32_1 = arith.constant 0 : i32
    return %c0_i32, %c0_i32_0 : i32, i32
  }
  func.func @transform_7(%arg0: i32) -> (i32, i32) {
    %c0_i32 = arith.constant 0 : i32
    %c0_i32_0 = arith.constant 0 : i32
    %c0_i32_1 = arith.constant 0 : i32
    return %c0_i32, %c0_i32_0 : i32, i32
  }
  func.func @transform_8(%arg0: i32) -> (i32, i32) {
    %c0_i32 = arith.constant 0 : i32
    %c0_i32_0 = arith.constant 0 : i32
    %c0_i32_1 = arith.constant 0 : i32
    return %c0_i32, %c0_i32_0 : i32, i32
  }
  func.func @transform_9(%arg0: i32) -> (i32, i32) {
    %c0_i32 = arith.constant 0 : i32
    %c0_i32_0 = arith.constant 0 : i32
    %c0_i32_1 = arith.constant 0 : i32
    return %c0_i32, %c0_i32_0 : i32, i32
  }
  func.func @transform_10(%arg0: i32) -> (i32, i32) {
    %c0_i32 = arith.constant 0 : i32
    %c0_i32_0 = arith.constant 0 : i32
    %c0_i32_1 = arith.constant 0 : i32
    return %c0_i32, %c0_i32_0 : i32, i32
  }
  func.func @transform_11(%arg0: i32) -> (i32, i32) {
    %c0_i32 = arith.constant 0 : i32
    %c0_i32_0 = arith.constant 0 : i32
    %c0_i32_1 = arith.constant 0 : i32
    return %c0_i32, %c0_i32_0 : i32, i32
  }
  func.func @transform_12(%arg0: i32) -> (i32, i32) {
    %c0_i32 = arith.constant 0 : i32
    %c0_i32_0 = arith.constant 0 : i32
    %c0_i32_1 = arith.constant 0 : i32
    return %c0_i32, %c0_i32_0 : i32, i32
  }
  func.func @transform_13(%arg0: i32) -> (i32, i32) {
    %c0_i32 = arith.constant 0 : i32
    %c0_i32_0 = arith.constant 0 : i32
    %c0_i32_1 = arith.constant 0 : i32
    return %c0_i32, %c0_i32_0 : i32, i32
  }
  func.func @transform_14(%arg0: i32) -> (i32, i32) {
    %c0_i32 = arith.constant 0 : i32
    %c0_i32_0 = arith.constant 0 : i32
    %c0_i32_1 = arith.constant 0 : i32
    return %c0_i32, %c0_i32_0 : i32, i32
  }
  func.func @transform_15(%arg0: i32) -> (i32, i32) {
    %c0_i32 = arith.constant 0 : i32
    %c0_i32_0 = arith.constant 0 : i32
    %c0_i32_1 = arith.constant 0 : i32
    return %c0_i32, %c0_i32_0 : i32, i32
  }
  func.func @transform_16(%arg0: i32) -> (i32, i32) {
    %c0_i32 = arith.constant 0 : i32
    %c0_i32_0 = arith.constant 0 : i32
    %c0_i32_1 = arith.constant 0 : i32
    return %c0_i32, %c0_i32_0 : i32, i32
  }
  func.func @transform_17(%arg0: i32) -> (i32, i32) {
    %c0_i32 = arith.constant 0 : i32
    %c0_i32_0 = arith.constant 0 : i32
    %c0_i32_1 = arith.constant 0 : i32
    return %c0_i32, %c0_i32_0 : i32, i32
  }
  func.func @transform_18(%arg0: i32) -> (i32, i32) {
    %c0_i32 = arith.constant 0 : i32
    %c0_i32_0 = arith.constant 0 : i32
    %c0_i32_1 = arith.constant 0 : i32
    return %c0_i32, %c0_i32_0 : i32, i32
  }
  func.func @transform_19(%arg0: i32) -> (i32, i32) {
    %c0_i32 = arith.constant 0 : i32
    %c0_i32_0 = arith.constant 0 : i32
    %c0_i32_1 = arith.constant 0 : i32
    return %c0_i32, %c0_i32_0 : i32, i32
  }
  func.func @transform_20(%arg0: i32) -> (i32, i32) {
    %c0_i32 = arith.constant 0 : i32
    %c0_i32_0 = arith.constant 0 : i32
    %c0_i32_1 = arith.constant 0 : i32
    return %c0_i32, %c0_i32_0 : i32, i32
  }
  func.func @transform_21(%arg0: i32) -> (i32, i32) {
    %c0_i32 = arith.constant 0 : i32
    %c0_i32_0 = arith.constant 0 : i32
    %c0_i32_1 = arith.constant 0 : i32
    return %c0_i32, %c0_i32_0 : i32, i32
  }
  func.func @transform_22(%arg0: i32) -> (i32, i32) {
    %c0_i32 = arith.constant 0 : i32
    %c0_i32_0 = arith.constant 0 : i32
    %c0_i32_1 = arith.constant 0 : i32
    return %c0_i32, %c0_i32_0 : i32, i32
  }
  func.func @transform_23(%arg0: i32) -> (i32, i32) {
    %c0_i32 = arith.constant 0 : i32
    %c0_i32_0 = arith.constant 0 : i32
    %c0_i32_1 = arith.constant 0 : i32
    return %c0_i32, %c0_i32_0 : i32, i32
  }
  func.func @transform_24(%arg0: i32) -> (i32, i32) {
    %c0_i32 = arith.constant 0 : i32
    %c0_i32_0 = arith.constant 0 : i32
    %c0_i32_1 = arith.constant 0 : i32
    return %c0_i32, %c0_i32_0 : i32, i32
  }
  func.func @transform_25(%arg0: i32) -> (i32, i32) {
    %c0_i32 = arith.constant 0 : i32
    %c0_i32_0 = arith.constant 0 : i32
    %c0_i32_1 = arith.constant 0 : i32
    return %c0_i32, %c0_i32_0 : i32, i32
  }
  func.func @transform_26(%arg0: i32) -> (i32, i32) {
    %c0_i32 = arith.constant 0 : i32
    %c0_i32_0 = arith.constant 0 : i32
    %c0_i32_1 = arith.constant 0 : i32
    return %c0_i32, %c0_i32_0 : i32, i32
  }
  func.func @transform_27(%arg0: i32) -> (i32, i32) {
    %c0_i32 = arith.constant 0 : i32
    %c0_i32_0 = arith.constant 0 : i32
    %c0_i32_1 = arith.constant 0 : i32
    return %c0_i32, %c0_i32_0 : i32, i32
  }
  func.func @transform_28(%arg0: i32) -> (i32, i32) {
    %c0_i32 = arith.constant 0 : i32
    %c0_i32_0 = arith.constant 0 : i32
    %c0_i32_1 = arith.constant 0 : i32
    return %c0_i32, %c0_i32_0 : i32, i32
  }
  func.func @transform_29(%arg0: i32) -> (i32, i32) {
    %c0_i32 = arith.constant 0 : i32
    %c0_i32_0 = arith.constant 0 : i32
    %c0_i32_1 = arith.constant 0 : i32
    return %c0_i32, %c0_i32_0 : i32, i32
  }
  func.func @transform_30(%arg0: i32) -> (i32, i32) {
    %c0_i32 = arith.constant 0 : i32
    %c0_i32_0 = arith.constant 0 : i32
    %c0_i32_1 = arith.constant 0 : i32
    return %c0_i32, %c0_i32_0 : i32, i32
  }
  func.func @transform_31(%arg0: i32) -> (i32, i32) {
    %c0_i32 = arith.constant 0 : i32
    %c0_i32_0 = arith.constant 0 : i32
    %c0_i32_1 = arith.constant 0 : i32
    return %c0_i32, %c0_i32_0 : i32, i32
  }
  func.func @transform_32(%arg0: i32) -> (i32, i32) {
    %c0_i32 = arith.constant 0 : i32
    %c0_i32_0 = arith.constant 0 : i32
    %c0_i32_1 = arith.constant 0 : i32
    return %c0_i32, %c0_i32_0 : i32, i32
  }
  func.func @transform_33(%arg0: i32) -> (i32, i32, i32, i32) {
    %c0_i32 = arith.constant 0 : i32
    %c0_i32_0 = arith.constant 0 : i32
    %c0_i32_1 = arith.constant 0 : i32
    %c0_i32_2 = arith.constant 0 : i32
    return %c0_i32, %arg0, %c0_i32_0, %c0_i32_1 : i32, i32, i32, i32
  }
}

</mosaic_0001>

<sc_bundles>
// kernel: kernel.4.cloned.1.call-start
scs
__scs_entry_jumppad:
0x0: {  	(pc) =	sbr.rel $0x88, $3  }
0x1: {  	(tag) =	ssettag $0x0;
	lr =	simm.s32 $0x1  }
0x2: {  	[smem:$0x3F82] =	sst lr;
	_ =	strace $0xD0000000  }
0x3: {  	_ = 	snop  }
0x4: {  	_ = 	snop  }
0x5: {  	_ = 	snop  }
0x6: {  	_ = 	snop  }
0x7: {  	_ = 	snop  }
__scs_overlays_trampoline_lowered:
0x8: {  	[smem:$0x3F91] =	sst s0  }
0x9: {  	[smem:$0x3F92] =	sst s1  }
0xa: {  	[smem:$0x3F93] =	sst s2  }
0xb: {  	[smem:$0x3F94] =	sst s3  }
0xc: {  	[smem:$0x3F95] =	sst s4  }
0xd: {  	[smem:$0x3F96] =	sst s5  }
0xe: {  	[smem:$0x3F97] =	sst s6  }
0xf: {  	[smem:$0x3F98] =	sst s7  }
0x10: {  	[smem:$0x3F99] =	sst s8  }
0x11: {  	[smem:$0x3F9A] =	sst s9;
	s0 =	simm.s32 @!p0 $0x0  }
0x12: {  	s1 =	sld [smem:$0x3F80];
	s0 =	simm.s32 @p0 $0x1  }
0x13: {  	[smem:$0x3F9B] =	sst s0;
	s0 =	simm.s32 @!p1 $0x0  }
0x14: {  	s2 =	sld [smem:$0x3F7F];
	s0 =	simm.s32 @p1 $0x1  }
0x15: {  	[smem:$0x3F9C] =	sst s0;
	s0 =	simm.s32 @!p2 $0x0  }
0x16: {  	s3 =	sld [smem:$0x3FDB];
	s0 =	simm.s32 @p2 $0x1  }
0x17: {  	s4 =	simm.s32 $0x1BF5;
	[smem:$0x3F9E] =	sst s0  }
0x18: {  	s0 =	sld [smem:$0x3F81];
	_ =	swait.ge [sflag:s4], $0x0  }
0x19: {  	s7 =	sld [smem:$0x3F82]  }
0x1a: {  	s8 =	sadd.s32 $0xFFFFE003, lr  }
0x1b: {  	s9 =	sadd.s32 $0xFFFFFEF7, lr;
	s5 =	simm.s32 $0xFFFFFFFF;
	p2 =	slt.u32 s8, $0xFFFFF086  }
0x1c: {  	p1 =	slt.u32 s9, $0xF7A;
	s5 =	simm.s32 @!p2 $0x0  }
0x1d: {  	s5 =	simm.s32 @p1 $0x1;
	p0 =	seq.s32 s7, s2  }
0x1e: {  	s7 =	smul.u32 @!p0 $0xF7A, s2;
	p2 =	seq.s32 @!p0 s5, $0x0  }
0x1f: {  	s9 =	smul.u32 $0xF7A, s1;
	s8 =	simm.s32 @!p0 $0x1BF5;
	p2 =	por !p2, p0  }
0x20: {  	[sflag:s8] =	ssyncset.s32 @!p0 $0xFFFFF086;
	s6 =	sadd.s32 @!p0 s3, s7;
	s7 =	simm.s32 @!p0 $0x108  }
0x21: {  	s3 =	sadd.s32 s3, s9;
	s6 =	sadd.s32 @!p0 $0x88, s6;
	s7 =	simm.s32 @p2 $0x1082  }
0x22: {  	[simem:s7], [sflag:s8] =	dma.local @!p0 [hbm:s6], $0xF7A  }
0x23: {  	s9 =	sor.u32 $0xD0000000, s2;
	s6 =	simm.s32 $0x108;
	_ =	swait.ge @!p0 [sflag:s8], $0x0  }
0x24: {  	s3 =	sadd.s32 $0x88, s3;
	s6 =	simm.s32 @!p1 $0x1082;
	[sflag:s4] =	ssyncset.s32 $0xFFFFF086  }
0x25: {  	[simem:s6], [sflag:s4] =	dma.local [hbm:s3], $0xF7A  }
0x26: {  	[smem:$0x3F82] =	sst s1;
	(tag) =	ssettag s2;
	_ =	strace s9  }
0x27: {  	s1 =	sld [smem:$0x3F92]  }
0x28: {  	s2 =	sld [smem:$0x3F93]  }
0x29: {  	s4 =	sld [smem:$0x3F95]  }
0x2a: {  	p0 =	seq.s32 s5, $0x0;
	s5 =	sld [smem:$0x3F96]  }
0x2b: {  	s6 =	sld [smem:$0x3F97]  }
0x2c: {  	s7 =	sld [smem:$0x3F98]  }
0x2d: {  	s3 =	simm.s32 $0x108;
	s8 =	sld [smem:$0x3F99]  }
0x2e: {  	s3 =	simm.s32 @!p0 $0x1082;
	s9 =	sld [smem:$0x3F9A]  }
0x2f: {  	lr =	sadd.s32 s0, s3;
	s0 =	sld [smem:$0x3F91]  }
0x30: {  	s3 =	sld [smem:$0x3F94]  }
0x31: {  	[smem:$0x3F9D] =	sst s10  }
0x32: {  	s10 =	sld [smem:$0x3F9B];
	_ =	sdelay $0x3  }
0x33: {  	p0 =	seq.s32 s10, $0x1;
	s10 =	sld [smem:$0x3F9D];
	_ =	sdelay $0x3  }
0x34: {  	[smem:$0x3F9D] =	sst s10  }
0x35: {  	s10 =	sld [smem:$0x3F9C];
	_ =	sdelay $0x3  }
0x36: {  	p1 =	seq.s32 s10, $0x1;
	s10 =	sld [smem:$0x3F9D];
	_ =	sdelay $0x3  }
0x37: {  	[smem:$0x3F9D] =	sst s10  }
0x38: {  	s10 =	sld [smem:$0x3F9E]  }
0x39: {  	_ = 	snop;
	(pc) =	sbr.ind lr, $3  }
0x3a: {  	_ = 	snop  }
0x3b: {  	_ = 	snop  }
0x3c: {  	p2 =	seq.s32 s10, $0x1;
	s10 =	sld [smem:$0x3F9D]  }
0x3d: {  	_ =	shalt  }
0x3e: {  	_ =	shalt  }
0x3f: {  	_ =	shalt  }
0x40: {  	_ =	shalt  }
0x41: {  	_ =	shalt  }
0x42: {  	_ =	shalt  }
0x43: {  	_ =	shalt  }
0x44: {  	_ =	shalt  }
0x45: {  	_ =	shalt  }
0x46: {  	_ =	shalt  }
0x47: {  	_ =	shalt  }
0x48: {  	_ =	shalt  }
0x49: {  	_ =	shalt  }
0x4a: {  	_ =	shalt  }
0x4b: {  	_ =	shalt  }
0x4c: {  	_ =	shalt  }
0x4d: {  	_ =	shalt  }
0x4e: {  	_ =	shalt  }
0x4f: {  	_ =	shalt  }
0x50: {  	_ =	shalt  }
0x51: {  	_ =	shalt  }
0x52: {  	_ =	shalt  }
0x53: {  	_ =	shalt  }
0x54: {  	_ =	shalt  }
0x55: {  	_ =	shalt  }
0x56: {  	_ =	shalt  }
0x57: {  	_ =	shalt  }
0x58: {  	_ =	shalt  }
0x59: {  	_ =	shalt  }
0x5a: {  	_ =	shalt  }
0x5b: {  	_ =	shalt  }
0x5c: {  	_ =	shalt  }
0x5d: {  	_ =	shalt  }
0x5e: {  	_ =	shalt  }
0x5f: {  	_ =	shalt  }
0x60: {  	_ =	shalt  }
0x61: {  	_ =	shalt  }
0x62: {  	_ =	shalt  }
0x63: {  	_ =	shalt  }
0x64: {  	_ =	shalt  }
0x65: {  	_ =	shalt  }
0x66: {  	_ =	shalt  }
0x67: {  	_ =	shalt  }
0x68: {  	_ =	shalt  }
0x69: {  	_ =	shalt  }
0x6a: {  	_ =	shalt  }
0x6b: {  	_ =	shalt  }
0x6c: {  	_ =	shalt  }
0x6d: {  	_ =	shalt  }
0x6e: {  	_ =	shalt  }
0x6f: {  	_ =	shalt  }
0x70: {  	_ =	shalt  }
0x71: {  	_ =	shalt  }
0x72: {  	_ =	shalt  }
0x73: {  	_ =	shalt  }
0x74: {  	_ =	shalt  }
0x75: {  	_ =	shalt  }
0x76: {  	_ =	shalt  }
0x77: {  	_ =	shalt  }
0x78: {  	_ =	shalt  }
0x79: {  	_ =	shalt  }
0x7a: {  	_ =	shalt  }
0x7b: {  	_ =	shalt  }
0x7c: {  	_ =	shalt  }
0x7d: {  	_ =	shalt  }
0x7e: {  	_ =	shalt  }
0x7f: {  	_ =	shalt  }
0x80: {  	_ =	shalt  }
0x81: {  	_ =	shalt  }
0x82: {  	_ =	shalt  }
0x83: {  	_ =	shalt  }
0x84: {  	_ =	shalt  }
0x85: {  	_ =	shalt  }
0x86: {  	_ =	shalt  }
0x87: {  	_ =	shalt  }
.Lfunc_end0:
.L_simem_size_0:
called_computation_lowered:
.L_overlay_start_0:
0x88: {  	s2 =	sld [smem:$0x3FD9]  }
0x89: {  	s3 =	sld [smem:$0x3FFE];
	_ =	sdelay $0x1  }
0x8a: {  	s1 =	srdreg.scid  }
0x8b: {  	s0 =	sand.u32 $0x1, s1  }
0x8c: {  	s17 =	sshll.u32 s0, $0xA;
	s2 =	sadd.s32 s3, s2  }
0x8d: {  	s2 =	sadd.s32 s2, s17  }
0x8e: {  	[smem:$0x3FA9] =	sst s2  }
0x8f: {  	_ = 	snop  }
0x90: {  	s2 =	sld [smem:$0x3FD0];
	(tm) =	ssettm $0x1  }
0x91: {  	s18 =	sld [smem:$0x3FFB];
	_ =	sdelay $0x3  }
0x92: {  	_ =	strace s18  }
0x93: {  	s3 =	sld [smem:$0x3FFC];
	_ =	sdelay $0x3  }
0x94: {  	_ =	strace s3  }
0x95: {  	s3 =	sld [smem:$0x3FFD];
	_ =	sdelay $0x3  }
0x96: {  	_ =	strace s3  }
0x97: {  	_ =	strace $0x8FFFFFFF  }
0x98: {  	s19 =	sld [smem:$0x3FDB];
	_ =	sdelay $0x1  }
0x99: {  	s4 =	simm.s32 $_scs_section_size  }
0x9a: {  	s5 =	simm.s32 $_size__tile_overlayer_lowered;
	s6 =	simm.s32 $_tile_overlayer_lowered  }
0x9b: {  	s22 =	simm.s32 $0x1BFF;
	s21 =	sshll.u32 s6, $0x1;
	s3 =	sadd.s32 s4, s19  }
0x9c: {  	s7 =	simm.s32 $0x0;
	s20 =	sshll.u32 s5, $0x1;
	s5 =	sadd.s32 s21, s3  }
0x9d: {  	[timem:s7], [sflag:s22] =	dma.local [hbm:s5], s20  }
0x9e: {  	_ =	swait.ge [sflag:s22], s20  }
0x9f: {  	s4 =	ssub.s32 $0x0, s20;
	[sflag:s22] =	ssyncset.done $0x0  }
0xa0: {  	[sflag:s22] =	ssyncadd.s32 s4;
	_ =	sdelay $0x1  }
0xa1: {  	s23 =	simm.s32 $0x1B8B  }
0xa2: {  	_ =	swait.ge [sflag:s23], $0x1  }
0xa3: {  	[sflag:s23] =	ssyncset.done $0x0  }
0xa4: {  	s25 =	simm.s32 $0x1B8E;
	s24 =	sld [smem:$0x3FFE];
	[sflag:s23] =	ssyncadd.s32 $0xFFFFFFFF  }
0xa5: {  	s26 =	simm.s32 $execute0_lowered;
	[smem:$0x3FD2] =	sst s25  }
0xa6: {  	s5 =	sshll.u32 s26, $0x1;
	_ =	strace $0x80000046;
	[dreg:$0x1] =	wrdreg $0xFFFFFFFF  }
0xa7: {  	s28 =	simm.s32 $_size_execute0_lowered;
	s3 =	sadd.s32 s3, s5;
	[dreg:$0x0] =	wrdreg $0x0  }
0xa8: {  	s5 =	sshll.u32 s28, $0x1;
	[dreg:$0x2] =	wrdreg s3  }
0xa9: {  	[dreg:$0x3] =	wrdreg s5  }
0xaa: {  	[dreg:$0x4] =	wrdreg $0xC0  }
0xab: {  	_ =	task [dreg:s7], $0x5FFFF  }
0xac: {  	[dreg:$0x1] =	wrdreg $0xFFFFFFFF  }
0xad: {  	[dreg:$0x0] =	wrdreg $0x60  }
0xae: {  	[dreg:$0x2] =	wrdreg s24  }
0xaf: {  	[dreg:$0x3] =	wrdreg s2  }
0xb0: {  	[dreg:$0x4] =	wrdreg $0x9  }
0xb1: {  	_ =	task.clear_ibuf [dreg:s7], $0x5FFFF;
	_ =	strace $0x90000046  }
0xb2: {  	s29 =	simm.s32 $0x9;
	_ =	strace $0x80000048  }
0xb3: {  	_ =	swait.ge [sflag:s29], $0x1  }
0xb4: {  	[sflag:s29] =	ssyncadd.s32 $0xFFFFFFFF  }
0xb5: {  	_ =	strace $0x90000048  }
0xb6: {  	_ =	sfence  }
0xb7: {  	s30 =	sld [smem:$0x0];
	_ =	sdelay $0x2  }
0xb8: {  	s31 =	sshll.u32 s1, $0xD;
	s1 =	sshrl.u32 s1, $0x2  }
0xb9: {  	s3 =	sand.u32 $0x4000, s31;
	s1 =	sadd.s32 s1, s30  }
0xba: {  	s0 =	sor.u32 s3, s0;
	s1 =	sshll.u32 s1, $0x11  }
0xbb: {  	s0 =	sor.u32 s1, s0  }
0xbc: {  	s0 =	sadd.s32 $0x8F2B, s0  }
0xbd: {  	[sflag:s0] =	ssyncadd.remote.s32 $0x1  }
0xbe: {  	_ =	sfence.sel $0xFFFF  }
0xbf: {  	[dreg:$0x0] =	wrdreg $0xFFFFFFFF;
	(pc) =	sbr.abs _section_cstart, $3  }
0xc0: {  	[dreg:$0x1] =	wrdreg $0xFFFFFFFF  }
0xc1: {  	_ =	task.clear_ibuf [dreg:s7], $0x2FFFF;
	_ =	strace $0x9FFFFFFF  }
0xc2: {  	(tm) =	ssettm $0x7FFFFFFF  }
0xc3: {  	_ =	shalt  }
tec
execute0_lowered:
.L_overlay_start_1:
0x0: {  	(tag) =	ssettag $0x1  }
0x1: {  	s1 =	srdreg.scid  }
0x2: {  	s0 =	stileid.u32;
	s9 =	rddreg [dreg:$0x0]  }
0x3: {  	s3 =	rddreg [dreg:$0x1];
	s6 =	sand.u32 $0x1, s1;
	s30 =	sshll.u32 s0, $0x1  }
0x4: {  	s2 =	simm.s32 $0x0;
	s1 =	rddreg [dreg:$0x2];
	s7 =	sor.u32 s6, s30  }
0x5: {  	s8 =	simm.s32 $0x1;
	[smem:$0x7FF] =	sst s2;
	s4 =	smul.u32 $0x18, s7  }
0x6: {  	s5 =	sadd.s32 $0x4600, s9;
	_ =	strace $0x80000047;
	s11 =	ssub.s32 $0x2, s6  }
0x7: {  	s6 =	simm.s32 $0xC0;
	s4 =	sadd.s32 s3, s4;
	s3 =	simm.s32 $0x2  }
0x8: {  	[tilespmem:s2], [sflag:$0x2] =	stream.linear.gather [hbm4b:s4+s2], $0xC0, $0x38;
	[tilespmem:$0x6100] =	vst v63  }
0x9: {  	s10 =	smul.u32 $0xC00, s7;
	s12 =	sshrl.u32 s11, $0x1;
	_ =	swait.ge [sflag:s3], $0xC0  }
0xa: {  	s7 =	simm.s32 $0x100;
	s31 =	ssub.s32 s11, s12;
	[sflag:s3] =	ssyncset.done $0x0  }
0xb: {  	s9 =	sadd.s32 s10, s9;
	s10 =	smax.u32 s31, $0x1;
	[sflag:s3] =	ssyncadd.s32 $0xFFFFFF40  }
0xc: {  	[tilespmem:s7], [sflag:$0x1] =	stream.indirect.gather [hbm4b:s5+s6], $0x80, s2, s6, $0xb8;
	[tilespmem:$0x6100] =	vst v63  }
0xd: {  	p0 =	sne.s32 s10, $0x1;
	_ =	swait.ge [sflag:s8], $0x6000  }
.Ltmp0:
0xe: {  	[sflag:s8] =	ssyncset.done $0x0;
	(pc) =	sbr.rel @!p0 .LBB2_2-.Ltmp0, $4  }
0xf: {  	s9 =	sadd.s32 $0x4800, s9;
	[sflag:s8] =	ssyncadd.s32 $0xFFFFA000  }
0x10: {  	[hbm4b:s9+s2] =	stream.linear.scatter [tilespmem:s7], [sflag:$0x2], $0x6000, $0x38;
	[tilespmem:$0x6100] =	vst v63  }
0x11: {  	_ =	swait.ge [sflag:s3], $0x6000  }
0x12: {  	s10 =	sadd.s32 $0xFFFFFFFF, s10;
	[sflag:s3] =	ssyncset.done $0x0  }
.LBB2_1:
0x13: {  	p0 =	sne.s32 s10, $0x1;
	s10 =	sadd.s32 $0xFFFFFFFF, s10;
	[sflag:s3] =	ssyncadd.s32 $0xFFFFA000  }
0x14: {  	[tilespmem:s2], [sflag:$0x2] =	stream.linear.gather [hbm4b:s4+s2], $0xC0, $0x38;
	[tilespmem:$0x6100] =	vst v63  }
0x15: {  	_ =	swait.ge [sflag:s3], $0xC0  }
0x16: {  	[sflag:s3] =	ssyncset.done $0x0  }
0x17: {  	[sflag:s3] =	ssyncadd.s32 $0xFFFFFF40  }
0x18: {  	[tilespmem:s7], [sflag:$0x1] =	stream.indirect.gather [hbm4b:s5+s6], $0x80, s2, s6, $0xb8;
	[tilespmem:$0x6100] =	vst v63  }
0x19: {  	_ =	swait.ge [sflag:s8], $0x6000  }
.Ltmp1:
0x1a: {  	[sflag:s8] =	ssyncset.done $0x0;
	(pc) =	sbr.rel @p0 .LBB2_1-.Ltmp1, $4  }
0x1b: {  	[sflag:s8] =	ssyncadd.s32 $0xFFFFA000  }
0x1c: {  	[hbm4b:s9+s2] =	stream.linear.scatter [tilespmem:s7], [sflag:$0x2], $0x6000, $0x38;
	[tilespmem:$0x6100] =	vst v63  }
0x1d: {  	_ =	swait.ge [sflag:s3], $0x6000  }
0x1e: {  	[sflag:s3] =	ssyncset.done $0x0  }
.LBB2_2:
0x1f: {  	[sflag:s3] =	ssyncadd.s32 $0xFFFFA000  }
0x20: {  	_ =	sfence.sel $0x180000  }
0x21: {  	[bflag:$0x0] =	sbarrier.arrive $0xFFFF  }
0x22: {  	p0 =	sne.s32 s0, $0x0;
	_ =	strace $0x90000047  }
0x23: {  	s0 =	sadd.s32 @!p0 $0x100000, s1;
	[bflag:$0x2] =	sbarrier.arrive $0xFFFF  }
0x24: {  	[sflag:s0] =	ssyncadd.tile.s32 @!p0 $0x1;
	_ =	shalt  }
.Lfunc_end2:
_tile_overlayer_lowered:
.L_overlay_start_2:
0x25: {  	(tag) =	ssettag $0x2  }
0x26: {  	s0 =	rddreg [dreg:$0x0];
	s2 =	stileid.u32  }
0x27: {  	s1 =	rddreg [dreg:$0x1];
	p0 =	sne.s32 s2, $0x0  }
0x28: {  	s3 =	rddreg [dreg:$0x2];
	[bflag:$0x3] =	sbarrier.arrive $0xFFFF;
	s2 =	simm.s32 @!p0 $0x1C02  }
0x29: {  	[timem:s3], [sflag:s2] =	dma.local @!p0 [hbm:s0], s1  }
0x2a: {  	s0 =	simm.s32 @!p0 $0x2  }
0x2b: {  	_ =	swait.ge @!p0 [sflag:s0], s1  }
0x2c: {  	s1 =	ssub.s32 @!p0 $0x0, s1;
	[sflag:s0] =	ssyncset.done @!p0 $0x0  }
0x2d: {  	[sflag:s0] =	ssyncadd.s32 @!p0 s1  }
0x2e: {  	[bflag:$0x3] =	sbarrier.arrive $0xFFFF  }
0x2f: {  	_ =	shalt  }

</sc_bundles>
